<compile_context>
chip_gen: v7x
topology: tpu7x:2x2x1
jax: 0.10.2.dev20260603
libtpu: 0.0.44.dev20260713+nightly
codegen_flags: <defaults>
</compile_context>

<pallas_src>
import functools

import jax
import jax.numpy as jnp
from jax import lax
from jax.experimental import pallas as pl
from jax.experimental.pallas import tpu as pltpu
from jax.experimental.pallas import tpu_sc as plsc

N = 8388608
T = 8
H = 26
W = 40
BINS = 2 * T * H * W

NC = 2
NS = 16
NW = NC * NS
PER_W = N // NW
C = 4096
N_CHUNKS = PER_W // C
NBUF = 4
L = 16
VPC = C // L
SLICE = BINS // NS


def _hist_body(x_hbm, y_hbm, t_hbm, p_hbm, out_hbm, scr_hbm,
               x0, y0, t0, p0, x1, y1, t1, p1,
               x2, y2, t2, p2, x3, y3, t3, p3,
               histv, acc, tmp, sem0, sem1, sem2, sem3, sem_r):
    cid = lax.axis_index("c")
    sid = lax.axis_index("s")
    wid = sid * NC + cid
    ev_base = wid * PER_W

    zero16 = jnp.zeros((L,), dtype=jnp.float32)
    one16 = jnp.full((L,), 1.0, dtype=jnp.float32)

    def fill_zero(i, carry):
        histv[pl.ds(i * L, L)] = zero16
        return carry

    lax.fori_loop(0, BINS // L, fill_zero, 0)

    def start_loads(base, bufs, sem):
        xr, yr, tr, pr = bufs
        pltpu.async_copy(x_hbm.at[pl.ds(base, C)], xr, sem)
        pltpu.async_copy(y_hbm.at[pl.ds(base, C)], yr, sem)
        pltpu.async_copy(t_hbm.at[pl.ds(base, C)], tr, sem)
        pltpu.async_copy(p_hbm.at[pl.ds(base, C)], pr, sem)

    def wait_loads(bufs, sem):
        xr, yr, tr, pr = bufs
        pltpu.make_async_copy(x_hbm.at[pl.ds(0, C)], xr, sem).wait()
        pltpu.make_async_copy(y_hbm.at[pl.ds(0, C)], yr, sem).wait()
        pltpu.make_async_copy(t_hbm.at[pl.ds(0, C)], tr, sem).wait()
        pltpu.make_async_copy(p_hbm.at[pl.ds(0, C)], pr, sem).wait()

    bufs = [(x0, y0, t0, p0), (x1, y1, t1, p1),
            (x2, y2, t2, p2), (x3, y3, t3, p3)]
    sems = [sem0, sem1, sem2, sem3]

    def accumulate(bufs):
        xr, yr, tr, pr = bufs

        @plsc.parallel_loop(0, VPC, unroll=8)
        def vec_body(i):
            s = pl.ds(i * L, L)
            xs = xr[s]
            ys = yr[s]
            ts = tr[s]
            ps = pr[s]
            xi = xs >> 3
            yi = jnp.minimum(ys >> 3, H - 1)
            ti = (ts * jnp.float32(T)).astype(jnp.int32)
            flat = ((ps << 3) + ti) * (H * W) + yi * W + xi
            plsc.addupdate_scatter(histv, [flat], one16)

    for k in range(NBUF - 1):
        start_loads(ev_base + k * C, bufs[k], sems[k])

    def chunk_group(jj, carry):
        for k in range(NBUF):
            c = NBUF * jj + k
            wait_loads(bufs[k], sems[k])
            accumulate(bufs[k])
            nxt = (k + NBUF - 1) % NBUF

            @pl.when(c + NBUF - 1 < N_CHUNKS)
            def _():
                start_loads(ev_base + (c + NBUF - 1) * C,
                            bufs[nxt], sems[nxt])

        return carry

    lax.fori_loop(0, N_CHUNKS // NBUF, chunk_group, 0)

    pltpu.sync_copy(histv, scr_hbm.at[pl.ds((cid * NS + sid) * BINS, BINS)])
    plsc.subcore_barrier()

    off = sid * SLICE
    descs = []
    for k in range(NS):
        descs.append(pltpu.async_copy(
            scr_hbm.at[pl.ds((cid * NS + k) * BINS + off, SLICE)],
            tmp.at[pl.ds(k * SLICE, SLICE)],
            sem_r,
        ))
    for d in descs:
        d.wait()

    def add_body(i, carry):
        s = i * L
        v = tmp[pl.ds(s, L)]
        for k in range(1, NS):
            v = v + tmp[pl.ds(k * SLICE + s, L)]
        acc[pl.ds(s, L)] = v
        return carry

    lax.fori_loop(0, SLICE // L, add_body, 0)
    pltpu.sync_copy(acc, out_hbm.at[pl.ds(cid * BINS + off, SLICE)])


@jax.jit
def _voxel_hist(x, y, t, p):
    mesh = plsc.VectorSubcoreMesh(
        core_axis_name="c", subcore_axis_name="s",
        num_cores=NC, num_subcores=NS,
    )
    partials, _ = pl.kernel(
        _hist_body,
        out_type=(
            jax.ShapeDtypeStruct((NC * BINS,), jnp.float32),
            jax.ShapeDtypeStruct((NW * BINS,), jnp.float32),
        ),
        mesh=mesh,
        compiler_params=pltpu.CompilerParams(needs_layout_passes=False),
        scratch_types=(
            [pltpu.VMEM((C,), dt)
             for _ in range(NBUF)
             for dt in (jnp.int32, jnp.int32, jnp.float32, jnp.int32)]
            + [
                pltpu.VMEM((BINS,), jnp.float32),
                pltpu.VMEM((SLICE,), jnp.float32),
                pltpu.VMEM((NS * SLICE,), jnp.float32),
            ]
            + [pltpu.SemaphoreType.DMA] * (NBUF + 1)
        ),
    )(x, y, t, p)
    return partials.reshape(NC, BINS).sum(axis=0).reshape(2 * T, H, W)


def kernel(x, y, t, p):
    return _voxel_hist(x, y, t, p)

# --- scband reference (transcript-rebuilt; emitter-appended) ---
"""Pipeline reference for scband-event-voxel-histogram-78546361909844 (READ-ONLY COPY).

The authoritative reference and input builder live on the scoring server;
editing this copy changes nothing except your own understanding.
"""

import jax, jax.numpy as jnp
import numpy as np

N = 8388608
T = 8
SENSOR_H = 215
SENSOR_W = 320
SH = 8
SW = 8
H = SENSOR_H // SH  # 26
W = SENSOR_W // SW  # 40


def setup_inputs(seed: int = 0) -> dict:
    key = jax.random.key(seed)
    k1, k2, k3, k4 = jax.random.split(key, 4)
    x = jax.random.randint(k1, (N,), 0, SENSOR_W, dtype=jnp.int32)
    y = jax.random.randint(k2, (N,), 0, SENSOR_H, dtype=jnp.int32)
    t = jax.random.uniform(k3, (N,), dtype=jnp.float32)
    p = jax.random.randint(k4, (N,), 0, 2, dtype=jnp.int32)
    return {"x": x, "y": y, "t": t, "p": p}


def reference(x, y, t, p):
    xi = jnp.clip(x.astype(jnp.int32) // SW, 0, W - 1)
    yi = jnp.clip(y.astype(jnp.int32) // SH, 0, H - 1)
    ti = jnp.clip((t.astype(jnp.float32) * T).astype(jnp.int32), 0, T - 1)
    pi = (p.astype(jnp.int32) > 0).astype(jnp.int32)
    flat = pi * (T * H * W) + ti * (H * W) + yi * W + xi
    total = 2 * T * H * W
    voxel = jnp.zeros((total,), dtype=jnp.float32)
    voxel = voxel.at[flat].add(jnp.ones_like(flat, dtype=jnp.float32))
    return voxel.reshape(2 * T, H, W)

if __name__ == "__main__":
    import jax
    _d = setup_inputs()
    print(jax.jit(kernel)(*tuple(_d.values())))

</pallas_src>

<mosaic_0001>
#map = affine_map<(d0, d1) -> (0)>
module attributes {stable_mosaic.version = 14 : i64} {
  func.func @_hist_body(%arg0: i32, %arg1: i32, %arg2: memref<8388608xi32, #tpu.memory_space<hbm>>, %arg3: memref<8388608xi32, #tpu.memory_space<hbm>>, %arg4: memref<8388608xf32, #tpu.memory_space<hbm>>, %arg5: memref<8388608xi32, #tpu.memory_space<hbm>>, %arg6: memref<33280xf32, #tpu.memory_space<hbm>>, %arg7: memref<532480xf32, #tpu.memory_space<hbm>>, %arg8: memref<4096xi32, #tpu.memory_space<vmem>>, %arg9: memref<4096xi32, #tpu.memory_space<vmem>>, %arg10: memref<4096xf32, #tpu.memory_space<vmem>>, %arg11: memref<4096xi32, #tpu.memory_space<vmem>>, %arg12: memref<4096xi32, #tpu.memory_space<vmem>>, %arg13: memref<4096xi32, #tpu.memory_space<vmem>>, %arg14: memref<4096xf32, #tpu.memory_space<vmem>>, %arg15: memref<4096xi32, #tpu.memory_space<vmem>>, %arg16: memref<4096xi32, #tpu.memory_space<vmem>>, %arg17: memref<4096xi32, #tpu.memory_space<vmem>>, %arg18: memref<4096xf32, #tpu.memory_space<vmem>>, %arg19: memref<4096xi32, #tpu.memory_space<vmem>>, %arg20: memref<4096xi32, #tpu.memory_space<vmem>>, %arg21: memref<4096xi32, #tpu.memory_space<vmem>>, %arg22: memref<4096xf32, #tpu.memory_space<vmem>>, %arg23: memref<4096xi32, #tpu.memory_space<vmem>>, %arg24: memref<16640xf32, #tpu.memory_space<vmem>>, %arg25: memref<1040xf32, #tpu.memory_space<vmem>>, %arg26: memref<16640xf32, #tpu.memory_space<vmem>>, %arg27: memref<!tpu.dma_semaphore, #tpu.memory_space<semaphore_mem>>, %arg28: memref<!tpu.dma_semaphore, #tpu.memory_space<semaphore_mem>>, %arg29: memref<!tpu.dma_semaphore, #tpu.memory_space<semaphore_mem>>, %arg30: memref<!tpu.dma_semaphore, #tpu.memory_space<semaphore_mem>>, %arg31: memref<!tpu.dma_semaphore, #tpu.memory_space<semaphore_mem>>) attributes {dimension_semantics = [#tpu.dimension_semantics<core_parallel>, #tpu.dimension_semantics<subcore_parallel>], iteration_bounds = array<i64: 2, 16>, scalar_prefetch = 0 : i64, scratch_operands = 24 : i64, tpu.core_type = #tpu.core_type<sc_vector_subcore>, window_params = [{transform_indices = #map}, {transform_indices = #map}, {transform_indices = #map}, {transform_indices = #map}, {transform_indices = #map}, {transform_indices = #map}]} {
    %mul3A = arith.constant 2 : i32
    %mul3A_0 = arith.muli %arg1, %mul3A : i32
    %add3A = arith.addi %mul3A_0, %arg0 : i32
    %mul3A_1 = arith.constant 262144 : i32
    %mul3A_2 = arith.muli %add3A, %mul3A_1 : i32
    %broadcast_in_dim3A = arith.constant 0.000000e+00 : f32
    %broadcast_in_dim3A_3 = vector.broadcast %broadcast_in_dim3A : f32 to vector<16xf32>
    %broadcast_in_dim3A_4 = arith.constant 1.000000e+00 : f32
    %broadcast_in_dim3A_5 = vector.broadcast %broadcast_in_dim3A_4 : f32 to vector<16xf32>
    %scan3A = arith.constant 0 : i32
    %scan3A_6 = arith.constant 0 : i32
    %scan3A_7 = arith.constant 1040 : i32
    %scan3A_8 = arith.addi %scan3A_6, %scan3A_7 : i32
    %scan3A_9 = arith.constant 1 : i32
    scf.for %scan3A_365 = %scan3A_6 to %scan3A_8 step %scan3A_9  : i32 {
      %mul3A_366 = arith.constant 16 : i32
      %mul3A_367 = arith.muli %scan3A_365, %mul3A_366 : i32
      %swap3A = arith.index_cast %mul3A_367 : i32 to index
      %swap3A_368 = tpu.vector_load %arg24[%swap3A] {strides = array<i32>} : memref<16640xf32, #tpu.memory_space<vmem>>, vector<16xf32>,
      tpu.vector_store %arg24[%swap3A], %broadcast_in_dim3A_3 {strides = array<i32>} : memref<16640xf32, #tpu.memory_space<vmem>>, vector<16xf32>,
    }
    %scan3A_10 = arith.constant 1040 : i32
    %add3A_11 = arith.constant 0 : i32
    %add3A_12 = arith.addi %mul3A_2, %add3A_11 : i32
    %dma_start3A = tpu.memref_slice %arg2[%add3A_12] : memref<8388608xi32, #tpu.memory_space<hbm>> -> memref<4096xi32, #tpu.memory_space<hbm>>
    %dma_start3A_13 = tpu.memref_slice %arg2[%add3A_12] : memref<8388608xi32, #tpu.memory_space<hbm>> -> memref<4096xi32, #tpu.memory_space<hbm>>
    tpu.enqueue_dma source(%dma_start3A_13 : memref<4096xi32, #tpu.memory_space<hbm>>) target(%arg8 : memref<4096xi32, #tpu.memory_space<vmem>>) target_semaphore(%arg27 : memref<!tpu.dma_semaphore, #tpu.memory_space<semaphore_mem>>)
    %dma_start3A_14 = tpu.memref_slice %arg3[%add3A_12] : memref<8388608xi32, #tpu.memory_space<hbm>> -> memref<4096xi32, #tpu.memory_space<hbm>>
    %dma_start3A_15 = tpu.memref_slice %arg3[%add3A_12] : memref<8388608xi32, #tpu.memory_space<hbm>> -> memref<4096xi32, #tpu.memory_space<hbm>>
    tpu.enqueue_dma source(%dma_start3A_15 : memref<4096xi32, #tpu.memory_space<hbm>>) target(%arg9 : memref<4096xi32, #tpu.memory_space<vmem>>) target_semaphore(%arg27 : memref<!tpu.dma_semaphore, #tpu.memory_space<semaphore_mem>>)
    %dma_start3A_16 = tpu.memref_slice %arg4[%add3A_12] : memref<8388608xf32, #tpu.memory_space<hbm>> -> memref<4096xf32, #tpu.memory_space<hbm>>
    %dma_start3A_17 = tpu.memref_slice %arg4[%add3A_12] : memref<8388608xf32, #tpu.memory_space<hbm>> -> memref<4096xf32, #tpu.memory_space<hbm>>
    tpu.enqueue_dma source(%dma_start3A_17 : memref<4096xf32, #tpu.memory_space<hbm>>) target(%arg10 : memref<4096xf32, #tpu.memory_space<vmem>>) target_semaphore(%arg27 : memref<!tpu.dma_semaphore, #tpu.memory_space<semaphore_mem>>)
    %dma_start3A_18 = tpu.memref_slice %arg5[%add3A_12] : memref<8388608xi32, #tpu.memory_space<hbm>> -> memref<4096xi32, #tpu.memory_space<hbm>>
    %dma_start3A_19 = tpu.memref_slice %arg5[%add3A_12] : memref<8388608xi32, #tpu.memory_space<hbm>> -> memref<4096xi32, #tpu.memory_space<hbm>>
    tpu.enqueue_dma source(%dma_start3A_19 : memref<4096xi32, #tpu.memory_space<hbm>>) target(%arg11 : memref<4096xi32, #tpu.memory_space<vmem>>) target_semaphore(%arg27 : memref<!tpu.dma_semaphore, #tpu.memory_space<semaphore_mem>>)
    %add3A_20 = arith.constant 4096 : i32
    %add3A_21 = arith.addi %mul3A_2, %add3A_20 : i32
    %dma_start3A_22 = tpu.memref_slice %arg2[%add3A_21] : memref<8388608xi32, #tpu.memory_space<hbm>> -> memref<4096xi32, #tpu.memory_space<hbm>>
    %dma_start3A_23 = tpu.memref_slice %arg2[%add3A_21] : memref<8388608xi32, #tpu.memory_space<hbm>> -> memref<4096xi32, #tpu.memory_space<hbm>>
    tpu.enqueue_dma source(%dma_start3A_23 : memref<4096xi32, #tpu.memory_space<hbm>>) target(%arg12 : memref<4096xi32, #tpu.memory_space<vmem>>) target_semaphore(%arg28 : memref<!tpu.dma_semaphore, #tpu.memory_space<semaphore_mem>>)
    %dma_start3A_24 = tpu.memref_slice %arg3[%add3A_21] : memref<8388608xi32, #tpu.memory_space<hbm>> -> memref<4096xi32, #tpu.memory_space<hbm>>
    %dma_start3A_25 = tpu.memref_slice %arg3[%add3A_21] : memref<8388608xi32, #tpu.memory_space<hbm>> -> memref<4096xi32, #tpu.memory_space<hbm>>
    tpu.enqueue_dma source(%dma_start3A_25 : memref<4096xi32, #tpu.memory_space<hbm>>) target(%arg13 : memref<4096xi32, #tpu.memory_space<vmem>>) target_semaphore(%arg28 : memref<!tpu.dma_semaphore, #tpu.memory_space<semaphore_mem>>)
    %dma_start3A_26 = tpu.memref_slice %arg4[%add3A_21] : memref<8388608xf32, #tpu.memory_space<hbm>> -> memref<4096xf32, #tpu.memory_space<hbm>>
    %dma_start3A_27 = tpu.memref_slice %arg4[%add3A_21] : memref<8388608xf32, #tpu.memory_space<hbm>> -> memref<4096xf32, #tpu.memory_space<hbm>>
    tpu.enqueue_dma source(%dma_start3A_27 : memref<4096xf32, #tpu.memory_space<hbm>>) target(%arg14 : memref<4096xf32, #tpu.memory_space<vmem>>) target_semaphore(%arg28 : memref<!tpu.dma_semaphore, #tpu.memory_space<semaphore_mem>>)
    %dma_start3A_28 = tpu.memref_slice %arg5[%add3A_21] : memref<8388608xi32, #tpu.memory_space<hbm>> -> memref<4096xi32, #tpu.memory_space<hbm>>
    %dma_start3A_29 = tpu.memref_slice %arg5[%add3A_21] : memref<8388608xi32, #tpu.memory_space<hbm>> -> memref<4096xi32, #tpu.memory_space<hbm>>
    tpu.enqueue_dma source(%dma_start3A_29 : memref<4096xi32, #tpu.memory_space<hbm>>) target(%arg15 : memref<4096xi32, #tpu.memory_space<vmem>>) target_semaphore(%arg28 : memref<!tpu.dma_semaphore, #tpu.memory_space<semaphore_mem>>)
    %add3A_30 = arith.constant 8192 : i32
    %add3A_31 = arith.addi %mul3A_2, %add3A_30 : i32
    %dma_start3A_32 = tpu.memref_slice %arg2[%add3A_31] : memref<8388608xi32, #tpu.memory_space<hbm>> -> memref<4096xi32, #tpu.memory_space<hbm>>
    %dma_start3A_33 = tpu.memref_slice %arg2[%add3A_31] : memref<8388608xi32, #tpu.memory_space<hbm>> -> memref<4096xi32, #tpu.memory_space<hbm>>
    tpu.enqueue_dma source(%dma_start3A_33 : memref<4096xi32, #tpu.memory_space<hbm>>) target(%arg16 : memref<4096xi32, #tpu.memory_space<vmem>>) target_semaphore(%arg29 : memref<!tpu.dma_semaphore, #tpu.memory_space<semaphore_mem>>)
    %dma_start3A_34 = tpu.memref_slice %arg3[%add3A_31] : memref<8388608xi32, #tpu.memory_space<hbm>> -> memref<4096xi32, #tpu.memory_space<hbm>>
    %dma_start3A_35 = tpu.memref_slice %arg3[%add3A_31] : memref<8388608xi32, #tpu.memory_space<hbm>> -> memref<4096xi32, #tpu.memory_space<hbm>>
    tpu.enqueue_dma source(%dma_start3A_35 : memref<4096xi32, #tpu.memory_space<hbm>>) target(%arg17 : memref<4096xi32, #tpu.memory_space<vmem>>) target_semaphore(%arg29 : memref<!tpu.dma_semaphore, #tpu.memory_space<semaphore_mem>>)
    %dma_start3A_36 = tpu.memref_slice %arg4[%add3A_31] : memref<8388608xf32, #tpu.memory_space<hbm>> -> memref<4096xf32, #tpu.memory_space<hbm>>
    %dma_start3A_37 = tpu.memref_slice %arg4[%add3A_31] : memref<8388608xf32, #tpu.memory_space<hbm>> -> memref<4096xf32, #tpu.memory_space<hbm>>
    tpu.enqueue_dma source(%dma_start3A_37 : memref<4096xf32, #tpu.memory_space<hbm>>) target(%arg18 : memref<4096xf32, #tpu.memory_space<vmem>>) target_semaphore(%arg29 : memref<!tpu.dma_semaphore, #tpu.memory_space<semaphore_mem>>)
    %dma_start3A_38 = tpu.memref_slice %arg5[%add3A_31] : memref<8388608xi32, #tpu.memory_space<hbm>> -> memref<4096xi32, #tpu.memory_space<hbm>>
    %dma_start3A_39 = tpu.memref_slice %arg5[%add3A_31] : memref<8388608xi32, #tpu.memory_space<hbm>> -> memref<4096xi32, #tpu.memory_space<hbm>>
    tpu.enqueue_dma source(%dma_start3A_39 : memref<4096xi32, #tpu.memory_space<hbm>>) target(%arg19 : memref<4096xi32, #tpu.memory_space<vmem>>) target_semaphore(%arg29 : memref<!tpu.dma_semaphore, #tpu.memory_space<semaphore_mem>>)
    %scan3A_40 = arith.constant 0 : i32
    %scan3A_41 = arith.constant 0 : i32
    %scan3A_42 = arith.constant 16 : i32
    %scan3A_43 = arith.addi %scan3A_41, %scan3A_42 : i32
    %scan3A_44 = arith.constant 1 : i32
    scf.for %scan3A_365 = %scan3A_41 to %scan3A_43 step %scan3A_44  : i32 {
      %mul3A_366 = arith.constant 4 : i32
      %mul3A_367 = arith.muli %mul3A_366, %scan3A_365 : i32
      %add3A_368 = arith.constant 0 : i32
      %add3A_369 = arith.addi %mul3A_367, %add3A_368 : i32
      %dma_wait3A_370 = arith.constant 0 : i32
      %dma_wait3A_371 = tpu.memref_slice %arg2[%dma_wait3A_370] : memref<8388608xi32, #tpu.memory_space<hbm>> -> memref<4096xi32, #tpu.memory_space<hbm>>
      %dma_wait3A_372 = arith.constant 0 : i32
      %dma_wait3A_373 = tpu.memref_slice %arg2[%dma_wait3A_372] : memref<8388608xi32, #tpu.memory_space<hbm>> -> memref<4096xi32, #tpu.memory_space<hbm>>
      tpu.wait_dma2 semaphore(%arg27 : memref<!tpu.dma_semaphore, #tpu.memory_space<semaphore_mem>>) src(%dma_wait3A_373 : memref<4096xi32, #tpu.memory_space<hbm>>) dst(%arg8 : memref<4096xi32, #tpu.memory_space<vmem>>)
      %dma_wait3A_374 = arith.constant 0 : i32
      %dma_wait3A_375 = tpu.memref_slice %arg3[%dma_wait3A_374] : memref<8388608xi32, #tpu.memory_space<hbm>> -> memref<4096xi32, #tpu.memory_space<hbm>>
      %dma_wait3A_376 = arith.constant 0 : i32
      %dma_wait3A_377 = tpu.memref_slice %arg3[%dma_wait3A_376] : memref<8388608xi32, #tpu.memory_space<hbm>> -> memref<4096xi32, #tpu.memory_space<hbm>>
      tpu.wait_dma2 semaphore(%arg27 : memref<!tpu.dma_semaphore, #tpu.memory_space<semaphore_mem>>) src(%dma_wait3A_377 : memref<4096xi32, #tpu.memory_space<hbm>>) dst(%arg9 : memref<4096xi32, #tpu.memory_space<vmem>>)
      %dma_wait3A_378 = arith.constant 0 : i32
      %dma_wait3A_379 = tpu.memref_slice %arg4[%dma_wait3A_378] : memref<8388608xf32, #tpu.memory_space<hbm>> -> memref<4096xf32, #tpu.memory_space<hbm>>
      %dma_wait3A_380 = arith.constant 0 : i32
      %dma_wait3A_381 = tpu.memref_slice %arg4[%dma_wait3A_380] : memref<8388608xf32, #tpu.memory_space<hbm>> -> memref<4096xf32, #tpu.memory_space<hbm>>
      tpu.wait_dma2 semaphore(%arg27 : memref<!tpu.dma_semaphore, #tpu.memory_space<semaphore_mem>>) src(%dma_wait3A_381 : memref<4096xf32, #tpu.memory_space<hbm>>) dst(%arg10 : memref<4096xf32, #tpu.memory_space<vmem>>)
      %dma_wait3A_382 = arith.constant 0 : i32
      %dma_wait3A_383 = tpu.memref_slice %arg5[%dma_wait3A_382] : memref<8388608xi32, #tpu.memory_space<hbm>> -> memref<4096xi32, #tpu.memory_space<hbm>>
      %dma_wait3A_384 = arith.constant 0 : i32
      %dma_wait3A_385 = tpu.memref_slice %arg5[%dma_wait3A_384] : memref<8388608xi32, #tpu.memory_space<hbm>> -> memref<4096xi32, #tpu.memory_space<hbm>>
      tpu.wait_dma2 semaphore(%arg27 : memref<!tpu.dma_semaphore, #tpu.memory_space<semaphore_mem>>) src(%dma_wait3A_385 : memref<4096xi32, #tpu.memory_space<hbm>>) dst(%arg11 : memref<4096xi32, #tpu.memory_space<vmem>>)
      %parallel_loop3A = arith.constant 0 : i32
      %parallel_loop3A_386 = arith.constant 256 : i32
      %parallel_loop3A_387 = arith.constant 1 : i32
      scf.for %parallel_loop3A_489 = %parallel_loop3A to %parallel_loop3A_386 step %parallel_loop3A_387  : i32 {
        %parallel_loop3A_490 = arith.constant 16 : i32
        %parallel_loop3A_491 = arith.muli %parallel_loop3A_489, %parallel_loop3A_490 : i32
        %parallel_loop3A_492 = arith.index_cast %parallel_loop3A_491 : i32 to index
        %parallel_loop3A_493 = tpu.vector_load %arg8[%parallel_loop3A_492] {strides = array<i32>} : memref<4096xi32, #tpu.memory_space<vmem>>, vector<16xi32>,
        %parallel_loop3A_494 = arith.index_cast %parallel_loop3A_491 : i32 to index
        %parallel_loop3A_495 = tpu.vector_load %arg9[%parallel_loop3A_494] {strides = array<i32>} : memref<4096xi32, #tpu.memory_space<vmem>>, vector<16xi32>,
        %parallel_loop3A_496 = arith.index_cast %parallel_loop3A_491 : i32 to index
        %parallel_loop3A_497 = tpu.vector_load %arg10[%parallel_loop3A_496] {strides = array<i32>} : memref<4096xf32, #tpu.memory_space<vmem>>, vector<16xf32>,
        %parallel_loop3A_498 = arith.index_cast %parallel_loop3A_491 : i32 to index
        %parallel_loop3A_499 = tpu.vector_load %arg11[%parallel_loop3A_498] {strides = array<i32>} : memref<4096xi32, #tpu.memory_space<vmem>>, vector<16xi32>,
        %parallel_loop3A_500 = arith.constant 3 : i32
        %parallel_loop3A_501 = vector.broadcast %parallel_loop3A_500 : i32 to vector<16xi32>
        %parallel_loop3A_502 = arith.shrsi %parallel_loop3A_493, %parallel_loop3A_501 : vector<16xi32>
        %parallel_loop3A_503 = arith.constant 3 : i32
        %parallel_loop3A_504 = vector.broadcast %parallel_loop3A_503 : i32 to vector<16xi32>
        %parallel_loop3A_505 = arith.shrsi %parallel_loop3A_495, %parallel_loop3A_504 : vector<16xi32>
        %parallel_loop3A_506 = arith.constant 25 : i32
        %parallel_loop3A_507 = vector.broadcast %parallel_loop3A_506 : i32 to vector<16xi32>
        %parallel_loop3A_508 = arith.minsi %parallel_loop3A_505, %parallel_loop3A_507 : vector<16xi32>
        %parallel_loop3A_509 = arith.constant 8.000000e+00 : f32
        %parallel_loop3A_510 = vector.broadcast %parallel_loop3A_509 : f32 to vector<16xf32>
        %parallel_loop3A_511 = arith.mulf %parallel_loop3A_497, %parallel_loop3A_510 : vector<16xf32>
        %parallel_loop3A_512 = arith.fptosi %parallel_loop3A_511 : vector<16xf32> to vector<16xi32>
        %parallel_loop3A_513 = arith.constant 3 : i32
        %parallel_loop3A_514 = vector.broadcast %parallel_loop3A_513 : i32 to vector<16xi32>
        %parallel_loop3A_515 = arith.shli %parallel_loop3A_499, %parallel_loop3A_514 : vector<16xi32>
        %parallel_loop3A_516 = arith.addi %parallel_loop3A_515, %parallel_loop3A_512 : vector<16xi32>
        %parallel_loop3A_517 = arith.constant 1040 : i32
        %parallel_loop3A_518 = vector.broadcast %parallel_loop3A_517 : i32 to vector<16xi32>
        %parallel_loop3A_519 = arith.muli %parallel_loop3A_516, %parallel_loop3A_518 : vector<16xi32>
        %parallel_loop3A_520 = arith.constant 40 : i32
        %parallel_loop3A_521 = vector.broadcast %parallel_loop3A_520 : i32 to vector<16xi32>
        %parallel_loop3A_522 = arith.muli %parallel_loop3A_508, %parallel_loop3A_521 : vector<16xi32>
        %parallel_loop3A_523 = arith.addi %parallel_loop3A_519, %parallel_loop3A_522 : vector<16xi32>
        %parallel_loop3A_524 = arith.addi %parallel_loop3A_523, %parallel_loop3A_502 : vector<16xi32>
        tpu.vector_store_idx %arg24[%parallel_loop3A_524], %broadcast_in_dim3A_5 {add = true} : memref<16640xf32, #tpu.memory_space<vmem>>[vector<16xi32>], vector<16xf32>,
      } {sc.loop_unroll_factor = 8 : i64, sc.parallel_access}
      %add3A_388 = arith.constant 4 : i32
      %add3A_389 = arith.addi %add3A_369, %add3A_388 : i32
      %sub3A = arith.constant 1 : i32
      %sub3A_390 = arith.subi %add3A_389, %sub3A : i32
      %lt3A = arith.constant 64 : i32
      %lt3A_391 = arith.cmpi slt, %sub3A_390, %lt3A : i32
      %convert_element_type3A = arith.extui %lt3A_391 : i1 to i32
      %cond3A = arith.constant 0 : i32
      %cond3A_392 = arith.cmpi ne, %convert_element_type3A, %cond3A : i32
      scf.if %cond3A_392 {
        %add3A_489 = arith.constant 4 : i32
        %add3A_490 = arith.addi %add3A_369, %add3A_489 : i32
        %sub3A_491 = arith.constant 1 : i32
        %sub3A_492 = arith.subi %add3A_490, %sub3A_491 : i32
        %mul3A_493 = arith.constant 4096 : i32
        %mul3A_494 = arith.muli %sub3A_492, %mul3A_493 : i32
        %add3A_495 = arith.addi %mul3A_2, %mul3A_494 : i32
        %dma_start3A_496 = tpu.memref_slice %arg2[%add3A_495] : memref<8388608xi32, #tpu.memory_space<hbm>> -> memref<4096xi32, #tpu.memory_space<hbm>>
        %dma_start3A_497 = tpu.memref_slice %arg2[%add3A_495] : memref<8388608xi32, #tpu.memory_space<hbm>> -> memref<4096xi32, #tpu.memory_space<hbm>>
        tpu.enqueue_dma source(%dma_start3A_497 : memref<4096xi32, #tpu.memory_space<hbm>>) target(%arg20 : memref<4096xi32, #tpu.memory_space<vmem>>) target_semaphore(%arg30 : memref<!tpu.dma_semaphore, #tpu.memory_space<semaphore_mem>>)
        %dma_start3A_498 = tpu.memref_slice %arg3[%add3A_495] : memref<8388608xi32, #tpu.memory_space<hbm>> -> memref<4096xi32, #tpu.memory_space<hbm>>
        %dma_start3A_499 = tpu.memref_slice %arg3[%add3A_495] : memref<8388608xi32, #tpu.memory_space<hbm>> -> memref<4096xi32, #tpu.memory_space<hbm>>
        tpu.enqueue_dma source(%dma_start3A_499 : memref<4096xi32, #tpu.memory_space<hbm>>) target(%arg21 : memref<4096xi32, #tpu.memory_space<vmem>>) target_semaphore(%arg30 : memref<!tpu.dma_semaphore, #tpu.memory_space<semaphore_mem>>)
        %dma_start3A_500 = tpu.memref_slice %arg4[%add3A_495] : memref<8388608xf32, #tpu.memory_space<hbm>> -> memref<4096xf32, #tpu.memory_space<hbm>>
        %dma_start3A_501 = tpu.memref_slice %arg4[%add3A_495] : memref<8388608xf32, #tpu.memory_space<hbm>> -> memref<4096xf32, #tpu.memory_space<hbm>>
        tpu.enqueue_dma source(%dma_start3A_501 : memref<4096xf32, #tpu.memory_space<hbm>>) target(%arg22 : memref<4096xf32, #tpu.memory_space<vmem>>) target_semaphore(%arg30 : memref<!tpu.dma_semaphore, #tpu.memory_space<semaphore_mem>>)
        %dma_start3A_502 = tpu.memref_slice %arg5[%add3A_495] : memref<8388608xi32, #tpu.memory_space<hbm>> -> memref<4096xi32, #tpu.memory_space<hbm>>
        %dma_start3A_503 = tpu.memref_slice %arg5[%add3A_495] : memref<8388608xi32, #tpu.memory_space<hbm>> -> memref<4096xi32, #tpu.memory_space<hbm>>
        tpu.enqueue_dma source(%dma_start3A_503 : memref<4096xi32, #tpu.memory_space<hbm>>) target(%arg23 : memref<4096xi32, #tpu.memory_space<vmem>>) target_semaphore(%arg30 : memref<!tpu.dma_semaphore, #tpu.memory_space<semaphore_mem>>)
      } else {
      }
      %mul3A_393 = arith.constant 4 : i32
      %mul3A_394 = arith.muli %mul3A_393, %scan3A_365 : i32
      %add3A_395 = arith.constant 1 : i32
      %add3A_396 = arith.addi %mul3A_394, %add3A_395 : i32
      %dma_wait3A_397 = arith.constant 0 : i32
      %dma_wait3A_398 = tpu.memref_slice %arg2[%dma_wait3A_397] : memref<8388608xi32, #tpu.memory_space<hbm>> -> memref<4096xi32, #tpu.memory_space<hbm>>
      %dma_wait3A_399 = arith.constant 0 : i32
      %dma_wait3A_400 = tpu.memref_slice %arg2[%dma_wait3A_399] : memref<8388608xi32, #tpu.memory_space<hbm>> -> memref<4096xi32, #tpu.memory_space<hbm>>
      tpu.wait_dma2 semaphore(%arg28 : memref<!tpu.dma_semaphore, #tpu.memory_space<semaphore_mem>>) src(%dma_wait3A_400 : memref<4096xi32, #tpu.memory_space<hbm>>) dst(%arg12 : memref<4096xi32, #tpu.memory_space<vmem>>)
      %dma_wait3A_401 = arith.constant 0 : i32
      %dma_wait3A_402 = tpu.memref_slice %arg3[%dma_wait3A_401] : memref<8388608xi32, #tpu.memory_space<hbm>> -> memref<4096xi32, #tpu.memory_space<hbm>>
      %dma_wait3A_403 = arith.constant 0 : i32
      %dma_wait3A_404 = tpu.memref_slice %arg3[%dma_wait3A_403] : memref<8388608xi32, #tpu.memory_space<hbm>> -> memref<4096xi32, #tpu.memory_space<hbm>>
      tpu.wait_dma2 semaphore(%arg28 : memref<!tpu.dma_semaphore, #tpu.memory_space<semaphore_mem>>) src(%dma_wait3A_404 : memref<4096xi32, #tpu.memory_space<hbm>>) dst(%arg13 : memref<4096xi32, #tpu.memory_space<vmem>>)
      %dma_wait3A_405 = arith.constant 0 : i32
      %dma_wait3A_406 = tpu.memref_slice %arg4[%dma_wait3A_405] : memref<8388608xf32, #tpu.memory_space<hbm>> -> memref<4096xf32, #tpu.memory_space<hbm>>
      %dma_wait3A_407 = arith.constant 0 : i32
      %dma_wait3A_408 = tpu.memref_slice %arg4[%dma_wait3A_407] : memref<8388608xf32, #tpu.memory_space<hbm>> -> memref<4096xf32, #tpu.memory_space<hbm>>
      tpu.wait_dma2 semaphore(%arg28 : memref<!tpu.dma_semaphore, #tpu.memory_space<semaphore_mem>>) src(%dma_wait3A_408 : memref<4096xf32, #tpu.memory_space<hbm>>) dst(%arg14 : memref<4096xf32, #tpu.memory_space<vmem>>)
      %dma_wait3A_409 = arith.constant 0 : i32
      %dma_wait3A_410 = tpu.memref_slice %arg5[%dma_wait3A_409] : memref<8388608xi32, #tpu.memory_space<hbm>> -> memref<4096xi32, #tpu.memory_space<hbm>>
      %dma_wait3A_411 = arith.constant 0 : i32
      %dma_wait3A_412 = tpu.memref_slice %arg5[%dma_wait3A_411] : memref<8388608xi32, #tpu.memory_space<hbm>> -> memref<4096xi32, #tpu.memory_space<hbm>>
      tpu.wait_dma2 semaphore(%arg28 : memref<!tpu.dma_semaphore, #tpu.memory_space<semaphore_mem>>) src(%dma_wait3A_412 : memref<4096xi32, #tpu.memory_space<hbm>>) dst(%arg15 : memref<4096xi32, #tpu.memory_space<vmem>>)
      %parallel_loop3A_413 = arith.constant 0 : i32
      %parallel_loop3A_414 = arith.constant 256 : i32
      %parallel_loop3A_415 = arith.constant 1 : i32
      scf.for %parallel_loop3A_489 = %parallel_loop3A_413 to %parallel_loop3A_414 step %parallel_loop3A_415  : i32 {
        %parallel_loop3A_490 = arith.constant 16 : i32
        %parallel_loop3A_491 = arith.muli %parallel_loop3A_489, %parallel_loop3A_490 : i32
        %parallel_loop3A_492 = arith.index_cast %parallel_loop3A_491 : i32 to index
        %parallel_loop3A_493 = tpu.vector_load %arg12[%parallel_loop3A_492] {strides = array<i32>} : memref<4096xi32, #tpu.memory_space<vmem>>, vector<16xi32>,
        %parallel_loop3A_494 = arith.index_cast %parallel_loop3A_491 : i32 to index
        %parallel_loop3A_495 = tpu.vector_load %arg13[%parallel_loop3A_494] {strides = array<i32>} : memref<4096xi32, #tpu.memory_space<vmem>>, vector<16xi32>,
        %parallel_loop3A_496 = arith.index_cast %parallel_loop3A_491 : i32 to index
        %parallel_loop3A_497 = tpu.vector_load %arg14[%parallel_loop3A_496] {strides = array<i32>} : memref<4096xf32, #tpu.memory_space<vmem>>, vector<16xf32>,
        %parallel_loop3A_498 = arith.index_cast %parallel_loop3A_491 : i32 to index
        %parallel_loop3A_499 = tpu.vector_load %arg15[%parallel_loop3A_498] {strides = array<i32>} : memref<4096xi32, #tpu.memory_space<vmem>>, vector<16xi32>,
        %parallel_loop3A_500 = arith.constant 3 : i32
        %parallel_loop3A_501 = vector.broadcast %parallel_loop3A_500 : i32 to vector<16xi32>
        %parallel_loop3A_502 = arith.shrsi %parallel_loop3A_493, %parallel_loop3A_501 : vector<16xi32>
        %parallel_loop3A_503 = arith.constant 3 : i32
        %parallel_loop3A_504 = vector.broadcast %parallel_loop3A_503 : i32 to vector<16xi32>
        %parallel_loop3A_505 = arith.shrsi %parallel_loop3A_495, %parallel_loop3A_504 : vector<16xi32>
        %parallel_loop3A_506 = arith.constant 25 : i32
        %parallel_loop3A_507 = vector.broadcast %parallel_loop3A_506 : i32 to vector<16xi32>
        %parallel_loop3A_508 = arith.minsi %parallel_loop3A_505, %parallel_loop3A_507 : vector<16xi32>
        %parallel_loop3A_509 = arith.constant 8.000000e+00 : f32
        %parallel_loop3A_510 = vector.broadcast %parallel_loop3A_509 : f32 to vector<16xf32>
        %parallel_loop3A_511 = arith.mulf %parallel_loop3A_497, %parallel_loop3A_510 : vector<16xf32>
        %parallel_loop3A_512 = arith.fptosi %parallel_loop3A_511 : vector<16xf32> to vector<16xi32>
        %parallel_loop3A_513 = arith.constant 3 : i32
        %parallel_loop3A_514 = vector.broadcast %parallel_loop3A_513 : i32 to vector<16xi32>
        %parallel_loop3A_515 = arith.shli %parallel_loop3A_499, %parallel_loop3A_514 : vector<16xi32>
        %parallel_loop3A_516 = arith.addi %parallel_loop3A_515, %parallel_loop3A_512 : vector<16xi32>
        %parallel_loop3A_517 = arith.constant 1040 : i32
        %parallel_loop3A_518 = vector.broadcast %parallel_loop3A_517 : i32 to vector<16xi32>
        %parallel_loop3A_519 = arith.muli %parallel_loop3A_516, %parallel_loop3A_518 : vector<16xi32>
        %parallel_loop3A_520 = arith.constant 40 : i32
        %parallel_loop3A_521 = vector.broadcast %parallel_loop3A_520 : i32 to vector<16xi32>
        %parallel_loop3A_522 = arith.muli %parallel_loop3A_508, %parallel_loop3A_521 : vector<16xi32>
        %parallel_loop3A_523 = arith.addi %parallel_loop3A_519, %parallel_loop3A_522 : vector<16xi32>
        %parallel_loop3A_524 = arith.addi %parallel_loop3A_523, %parallel_loop3A_502 : vector<16xi32>
        tpu.vector_store_idx %arg24[%parallel_loop3A_524], %broadcast_in_dim3A_5 {add = true} : memref<16640xf32, #tpu.memory_space<vmem>>[vector<16xi32>], vector<16xf32>,
      } {sc.loop_unroll_factor = 8 : i64, sc.parallel_access}
      %add3A_416 = arith.constant 4 : i32
      %add3A_417 = arith.addi %add3A_396, %add3A_416 : i32
      %sub3A_418 = arith.constant 1 : i32
      %sub3A_419 = arith.subi %add3A_417, %sub3A_418 : i32
      %lt3A_420 = arith.constant 64 : i32
      %lt3A_421 = arith.cmpi slt, %sub3A_419, %lt3A_420 : i32
      %convert_element_type3A_422 = arith.extui %lt3A_421 : i1 to i32
      %cond3A_423 = arith.constant 0 : i32
      %cond3A_424 = arith.cmpi ne, %convert_element_type3A_422, %cond3A_423 : i32
      scf.if %cond3A_424 {
        %add3A_489 = arith.constant 4 : i32
        %add3A_490 = arith.addi %add3A_396, %add3A_489 : i32
        %sub3A_491 = arith.constant 1 : i32
        %sub3A_492 = arith.subi %add3A_490, %sub3A_491 : i32
        %mul3A_493 = arith.constant 4096 : i32
        %mul3A_494 = arith.muli %sub3A_492, %mul3A_493 : i32
        %add3A_495 = arith.addi %mul3A_2, %mul3A_494 : i32
        %dma_start3A_496 = tpu.memref_slice %arg2[%add3A_495] : memref<8388608xi32, #tpu.memory_space<hbm>> -> memref<4096xi32, #tpu.memory_space<hbm>>
        %dma_start3A_497 = tpu.memref_slice %arg2[%add3A_495] : memref<8388608xi32, #tpu.memory_space<hbm>> -> memref<4096xi32, #tpu.memory_space<hbm>>
        tpu.enqueue_dma source(%dma_start3A_497 : memref<4096xi32, #tpu.memory_space<hbm>>) target(%arg8 : memref<4096xi32, #tpu.memory_space<vmem>>) target_semaphore(%arg27 : memref<!tpu.dma_semaphore, #tpu.memory_space<semaphore_mem>>)
        %dma_start3A_498 = tpu.memref_slice %arg3[%add3A_495] : memref<8388608xi32, #tpu.memory_space<hbm>> -> memref<4096xi32, #tpu.memory_space<hbm>>
        %dma_start3A_499 = tpu.memref_slice %arg3[%add3A_495] : memref<8388608xi32, #tpu.memory_space<hbm>> -> memref<4096xi32, #tpu.memory_space<hbm>>
        tpu.enqueue_dma source(%dma_start3A_499 : memref<4096xi32, #tpu.memory_space<hbm>>) target(%arg9 : memref<4096xi32, #tpu.memory_space<vmem>>) target_semaphore(%arg27 : memref<!tpu.dma_semaphore, #tpu.memory_space<semaphore_mem>>)
        %dma_start3A_500 = tpu.memref_slice %arg4[%add3A_495] : memref<8388608xf32, #tpu.memory_space<hbm>> -> memref<4096xf32, #tpu.memory_space<hbm>>
        %dma_start3A_501 = tpu.memref_slice %arg4[%add3A_495] : memref<8388608xf32, #tpu.memory_space<hbm>> -> memref<4096xf32, #tpu.memory_space<hbm>>
        tpu.enqueue_dma source(%dma_start3A_501 : memref<4096xf32, #tpu.memory_space<hbm>>) target(%arg10 : memref<4096xf32, #tpu.memory_space<vmem>>) target_semaphore(%arg27 : memref<!tpu.dma_semaphore, #tpu.memory_space<semaphore_mem>>)
        %dma_start3A_502 = tpu.memref_slice %arg5[%add3A_495] : memref<8388608xi32, #tpu.memory_space<hbm>> -> memref<4096xi32, #tpu.memory_space<hbm>>
        %dma_start3A_503 = tpu.memref_slice %arg5[%add3A_495] : memref<8388608xi32, #tpu.memory_space<hbm>> -> memref<4096xi32, #tpu.memory_space<hbm>>
        tpu.enqueue_dma source(%dma_start3A_503 : memref<4096xi32, #tpu.memory_space<hbm>>) target(%arg11 : memref<4096xi32, #tpu.memory_space<vmem>>) target_semaphore(%arg27 : memref<!tpu.dma_semaphore, #tpu.memory_space<semaphore_mem>>)
      } else {
      }
      %mul3A_425 = arith.constant 4 : i32
      %mul3A_426 = arith.muli %mul3A_425, %scan3A_365 : i32
      %add3A_427 = arith.constant 2 : i32
      %add3A_428 = arith.addi %mul3A_426, %add3A_427 : i32
      %dma_wait3A_429 = arith.constant 0 : i32
      %dma_wait3A_430 = tpu.memref_slice %arg2[%dma_wait3A_429] : memref<8388608xi32, #tpu.memory_space<hbm>> -> memref<4096xi32, #tpu.memory_space<hbm>>
      %dma_wait3A_431 = arith.constant 0 : i32
      %dma_wait3A_432 = tpu.memref_slice %arg2[%dma_wait3A_431] : memref<8388608xi32, #tpu.memory_space<hbm>> -> memref<4096xi32, #tpu.memory_space<hbm>>
      tpu.wait_dma2 semaphore(%arg29 : memref<!tpu.dma_semaphore, #tpu.memory_space<semaphore_mem>>) src(%dma_wait3A_432 : memref<4096xi32, #tpu.memory_space<hbm>>) dst(%arg16 : memref<4096xi32, #tpu.memory_space<vmem>>)
      %dma_wait3A_433 = arith.constant 0 : i32
      %dma_wait3A_434 = tpu.memref_slice %arg3[%dma_wait3A_433] : memref<8388608xi32, #tpu.memory_space<hbm>> -> memref<4096xi32, #tpu.memory_space<hbm>>
      %dma_wait3A_435 = arith.constant 0 : i32
      %dma_wait3A_436 = tpu.memref_slice %arg3[%dma_wait3A_435] : memref<8388608xi32, #tpu.memory_space<hbm>> -> memref<4096xi32, #tpu.memory_space<hbm>>
      tpu.wait_dma2 semaphore(%arg29 : memref<!tpu.dma_semaphore, #tpu.memory_space<semaphore_mem>>) src(%dma_wait3A_436 : memref<4096xi32, #tpu.memory_space<hbm>>) dst(%arg17 : memref<4096xi32, #tpu.memory_space<vmem>>)
      %dma_wait3A_437 = arith.constant 0 : i32
      %dma_wait3A_438 = tpu.memref_slice %arg4[%dma_wait3A_437] : memref<8388608xf32, #tpu.memory_space<hbm>> -> memref<4096xf32, #tpu.memory_space<hbm>>
      %dma_wait3A_439 = arith.constant 0 : i32
      %dma_wait3A_440 = tpu.memref_slice %arg4[%dma_wait3A_439] : memref<8388608xf32, #tpu.memory_space<hbm>> -> memref<4096xf32, #tpu.memory_space<hbm>>
      tpu.wait_dma2 semaphore(%arg29 : memref<!tpu.dma_semaphore, #tpu.memory_space<semaphore_mem>>) src(%dma_wait3A_440 : memref<4096xf32, #tpu.memory_space<hbm>>) dst(%arg18 : memref<4096xf32, #tpu.memory_space<vmem>>)
      %dma_wait3A_441 = arith.constant 0 : i32
      %dma_wait3A_442 = tpu.memref_slice %arg5[%dma_wait3A_441] : memref<8388608xi32, #tpu.memory_space<hbm>> -> memref<4096xi32, #tpu.memory_space<hbm>>
      %dma_wait3A_443 = arith.constant 0 : i32
      %dma_wait3A_444 = tpu.memref_slice %arg5[%dma_wait3A_443] : memref<8388608xi32, #tpu.memory_space<hbm>> -> memref<4096xi32, #tpu.memory_space<hbm>>
      tpu.wait_dma2 semaphore(%arg29 : memref<!tpu.dma_semaphore, #tpu.memory_space<semaphore_mem>>) src(%dma_wait3A_444 : memref<4096xi32, #tpu.memory_space<hbm>>) dst(%arg19 : memref<4096xi32, #tpu.memory_space<vmem>>)
      %parallel_loop3A_445 = arith.constant 0 : i32
      %parallel_loop3A_446 = arith.constant 256 : i32
      %parallel_loop3A_447 = arith.constant 1 : i32
      scf.for %parallel_loop3A_489 = %parallel_loop3A_445 to %parallel_loop3A_446 step %parallel_loop3A_447  : i32 {
        %parallel_loop3A_490 = arith.constant 16 : i32
        %parallel_loop3A_491 = arith.muli %parallel_loop3A_489, %parallel_loop3A_490 : i32
        %parallel_loop3A_492 = arith.index_cast %parallel_loop3A_491 : i32 to index
        %parallel_loop3A_493 = tpu.vector_load %arg16[%parallel_loop3A_492] {strides = array<i32>} : memref<4096xi32, #tpu.memory_space<vmem>>, vector<16xi32>,
        %parallel_loop3A_494 = arith.index_cast %parallel_loop3A_491 : i32 to index
        %parallel_loop3A_495 = tpu.vector_load %arg17[%parallel_loop3A_494] {strides = array<i32>} : memref<4096xi32, #tpu.memory_space<vmem>>, vector<16xi32>,
        %parallel_loop3A_496 = arith.index_cast %parallel_loop3A_491 : i32 to index
        %parallel_loop3A_497 = tpu.vector_load %arg18[%parallel_loop3A_496] {strides = array<i32>} : memref<4096xf32, #tpu.memory_space<vmem>>, vector<16xf32>,
        %parallel_loop3A_498 = arith.index_cast %parallel_loop3A_491 : i32 to index
        %parallel_loop3A_499 = tpu.vector_load %arg19[%parallel_loop3A_498] {strides = array<i32>} : memref<4096xi32, #tpu.memory_space<vmem>>, vector<16xi32>,
        %parallel_loop3A_500 = arith.constant 3 : i32
        %parallel_loop3A_501 = vector.broadcast %parallel_loop3A_500 : i32 to vector<16xi32>
        %parallel_loop3A_502 = arith.shrsi %parallel_loop3A_493, %parallel_loop3A_501 : vector<16xi32>
        %parallel_loop3A_503 = arith.constant 3 : i32
        %parallel_loop3A_504 = vector.broadcast %parallel_loop3A_503 : i32 to vector<16xi32>
        %parallel_loop3A_505 = arith.shrsi %parallel_loop3A_495, %parallel_loop3A_504 : vector<16xi32>
        %parallel_loop3A_506 = arith.constant 25 : i32
        %parallel_loop3A_507 = vector.broadcast %parallel_loop3A_506 : i32 to vector<16xi32>
        %parallel_loop3A_508 = arith.minsi %parallel_loop3A_505, %parallel_loop3A_507 : vector<16xi32>
        %parallel_loop3A_509 = arith.constant 8.000000e+00 : f32
        %parallel_loop3A_510 = vector.broadcast %parallel_loop3A_509 : f32 to vector<16xf32>
        %parallel_loop3A_511 = arith.mulf %parallel_loop3A_497, %parallel_loop3A_510 : vector<16xf32>
        %parallel_loop3A_512 = arith.fptosi %parallel_loop3A_511 : vector<16xf32> to vector<16xi32>
        %parallel_loop3A_513 = arith.constant 3 : i32
        %parallel_loop3A_514 = vector.broadcast %parallel_loop3A_513 : i32 to vector<16xi32>
        %parallel_loop3A_515 = arith.shli %parallel_loop3A_499, %parallel_loop3A_514 : vector<16xi32>
        %parallel_loop3A_516 = arith.addi %parallel_loop3A_515, %parallel_loop3A_512 : vector<16xi32>
        %parallel_loop3A_517 = arith.constant 1040 : i32
        %parallel_loop3A_518 = vector.broadcast %parallel_loop3A_517 : i32 to vector<16xi32>
        %parallel_loop3A_519 = arith.muli %parallel_loop3A_516, %parallel_loop3A_518 : vector<16xi32>
        %parallel_loop3A_520 = arith.constant 40 : i32
        %parallel_loop3A_521 = vector.broadcast %parallel_loop3A_520 : i32 to vector<16xi32>
        %parallel_loop3A_522 = arith.muli %parallel_loop3A_508, %parallel_loop3A_521 : vector<16xi32>
        %parallel_loop3A_523 = arith.addi %parallel_loop3A_519, %parallel_loop3A_522 : vector<16xi32>
        %parallel_loop3A_524 = arith.addi %parallel_loop3A_523, %parallel_loop3A_502 : vector<16xi32>
        tpu.vector_store_idx %arg24[%parallel_loop3A_524], %broadcast_in_dim3A_5 {add = true} : memref<16640xf32, #tpu.memory_space<vmem>>[vector<16xi32>], vector<16xf32>,
      } {sc.loop_unroll_factor = 8 : i64, sc.parallel_access}
      %add3A_448 = arith.constant 4 : i32
      %add3A_449 = arith.addi %add3A_428, %add3A_448 : i32
      %sub3A_450 = arith.constant 1 : i32
      %sub3A_451 = arith.subi %add3A_449, %sub3A_450 : i32
      %lt3A_452 = arith.constant 64 : i32
      %lt3A_453 = arith.cmpi slt, %sub3A_451, %lt3A_452 : i32
      %convert_element_type3A_454 = arith.extui %lt3A_453 : i1 to i32
      %cond3A_455 = arith.constant 0 : i32
      %cond3A_456 = arith.cmpi ne, %convert_element_type3A_454, %cond3A_455 : i32
      scf.if %cond3A_456 {
        %add3A_489 = arith.constant 4 : i32
        %add3A_490 = arith.addi %add3A_428, %add3A_489 : i32
        %sub3A_491 = arith.constant 1 : i32
        %sub3A_492 = arith.subi %add3A_490, %sub3A_491 : i32
        %mul3A_493 = arith.constant 4096 : i32
        %mul3A_494 = arith.muli %sub3A_492, %mul3A_493 : i32
        %add3A_495 = arith.addi %mul3A_2, %mul3A_494 : i32
        %dma_start3A_496 = tpu.memref_slice %arg2[%add3A_495] : memref<8388608xi32, #tpu.memory_space<hbm>> -> memref<4096xi32, #tpu.memory_space<hbm>>
        %dma_start3A_497 = tpu.memref_slice %arg2[%add3A_495] : memref<8388608xi32, #tpu.memory_space<hbm>> -> memref<4096xi32, #tpu.memory_space<hbm>>
        tpu.enqueue_dma source(%dma_start3A_497 : memref<4096xi32, #tpu.memory_space<hbm>>) target(%arg12 : memref<4096xi32, #tpu.memory_space<vmem>>) target_semaphore(%arg28 : memref<!tpu.dma_semaphore, #tpu.memory_space<semaphore_mem>>)
        %dma_start3A_498 = tpu.memref_slice %arg3[%add3A_495] : memref<8388608xi32, #tpu.memory_space<hbm>> -> memref<4096xi32, #tpu.memory_space<hbm>>
        %dma_start3A_499 = tpu.memref_slice %arg3[%add3A_495] : memref<8388608xi32, #tpu.memory_space<hbm>> -> memref<4096xi32, #tpu.memory_space<hbm>>
        tpu.enqueue_dma source(%dma_start3A_499 : memref<4096xi32, #tpu.memory_space<hbm>>) target(%arg13 : memref<4096xi32, #tpu.memory_space<vmem>>) target_semaphore(%arg28 : memref<!tpu.dma_semaphore, #tpu.memory_space<semaphore_mem>>)
        %dma_start3A_500 = tpu.memref_slice %arg4[%add3A_495] : memref<8388608xf32, #tpu.memory_space<hbm>> -> memref<4096xf32, #tpu.memory_space<hbm>>
        %dma_start3A_501 = tpu.memref_slice %arg4[%add3A_495] : memref<8388608xf32, #tpu.memory_space<hbm>> -> memref<4096xf32, #tpu.memory_space<hbm>>
        tpu.enqueue_dma source(%dma_start3A_501 : memref<4096xf32, #tpu.memory_space<hbm>>) target(%arg14 : memref<4096xf32, #tpu.memory_space<vmem>>) target_semaphore(%arg28 : memref<!tpu.dma_semaphore, #tpu.memory_space<semaphore_mem>>)
        %dma_start3A_502 = tpu.memref_slice %arg5[%add3A_495] : memref<8388608xi32, #tpu.memory_space<hbm>> -> memref<4096xi32, #tpu.memory_space<hbm>>
        %dma_start3A_503 = tpu.memref_slice %arg5[%add3A_495] : memref<8388608xi32, #tpu.memory_space<hbm>> -> memref<4096xi32, #tpu.memory_space<hbm>>
        tpu.enqueue_dma source(%dma_start3A_503 : memref<4096xi32, #tpu.memory_space<hbm>>) target(%arg15 : memref<4096xi32, #tpu.memory_space<vmem>>) target_semaphore(%arg28 : memref<!tpu.dma_semaphore, #tpu.memory_space<semaphore_mem>>)
      } else {
      }
      %mul3A_457 = arith.constant 4 : i32
      %mul3A_458 = arith.muli %mul3A_457, %scan3A_365 : i32
      %add3A_459 = arith.constant 3 : i32
      %add3A_460 = arith.addi %mul3A_458, %add3A_459 : i32
      %dma_wait3A_461 = arith.constant 0 : i32
      %dma_wait3A_462 = tpu.memref_slice %arg2[%dma_wait3A_461] : memref<8388608xi32, #tpu.memory_space<hbm>> -> memref<4096xi32, #tpu.memory_space<hbm>>
      %dma_wait3A_463 = arith.constant 0 : i32
      %dma_wait3A_464 = tpu.memref_slice %arg2[%dma_wait3A_463] : memref<8388608xi32, #tpu.memory_space<hbm>> -> memref<4096xi32, #tpu.memory_space<hbm>>
      tpu.wait_dma2 semaphore(%arg30 : memref<!tpu.dma_semaphore, #tpu.memory_space<semaphore_mem>>) src(%dma_wait3A_464 : memref<4096xi32, #tpu.memory_space<hbm>>) dst(%arg20 : memref<4096xi32, #tpu.memory_space<vmem>>)
      %dma_wait3A_465 = arith.constant 0 : i32
      %dma_wait3A_466 = tpu.memref_slice %arg3[%dma_wait3A_465] : memref<8388608xi32, #tpu.memory_space<hbm>> -> memref<4096xi32, #tpu.memory_space<hbm>>
      %dma_wait3A_467 = arith.constant 0 : i32
      %dma_wait3A_468 = tpu.memref_slice %arg3[%dma_wait3A_467] : memref<8388608xi32, #tpu.memory_space<hbm>> -> memref<4096xi32, #tpu.memory_space<hbm>>
      tpu.wait_dma2 semaphore(%arg30 : memref<!tpu.dma_semaphore, #tpu.memory_space<semaphore_mem>>) src(%dma_wait3A_468 : memref<4096xi32, #tpu.memory_space<hbm>>) dst(%arg21 : memref<4096xi32, #tpu.memory_space<vmem>>)
      %dma_wait3A_469 = arith.constant 0 : i32
      %dma_wait3A_470 = tpu.memref_slice %arg4[%dma_wait3A_469] : memref<8388608xf32, #tpu.memory_space<hbm>> -> memref<4096xf32, #tpu.memory_space<hbm>>
      %dma_wait3A_471 = arith.constant 0 : i32
      %dma_wait3A_472 = tpu.memref_slice %arg4[%dma_wait3A_471] : memref<8388608xf32, #tpu.memory_space<hbm>> -> memref<4096xf32, #tpu.memory_space<hbm>>
      tpu.wait_dma2 semaphore(%arg30 : memref<!tpu.dma_semaphore, #tpu.memory_space<semaphore_mem>>) src(%dma_wait3A_472 : memref<4096xf32, #tpu.memory_space<hbm>>) dst(%arg22 : memref<4096xf32, #tpu.memory_space<vmem>>)
      %dma_wait3A_473 = arith.constant 0 : i32
      %dma_wait3A_474 = tpu.memref_slice %arg5[%dma_wait3A_473] : memref<8388608xi32, #tpu.memory_space<hbm>> -> memref<4096xi32, #tpu.memory_space<hbm>>
      %dma_wait3A_475 = arith.constant 0 : i32
      %dma_wait3A_476 = tpu.memref_slice %arg5[%dma_wait3A_475] : memref<8388608xi32, #tpu.memory_space<hbm>> -> memref<4096xi32, #tpu.memory_space<hbm>>
      tpu.wait_dma2 semaphore(%arg30 : memref<!tpu.dma_semaphore, #tpu.memory_space<semaphore_mem>>) src(%dma_wait3A_476 : memref<4096xi32, #tpu.memory_space<hbm>>) dst(%arg23 : memref<4096xi32, #tpu.memory_space<vmem>>)
      %parallel_loop3A_477 = arith.constant 0 : i32
      %parallel_loop3A_478 = arith.constant 256 : i32
      %parallel_loop3A_479 = arith.constant 1 : i32
      scf.for %parallel_loop3A_489 = %parallel_loop3A_477 to %parallel_loop3A_478 step %parallel_loop3A_479  : i32 {
        %parallel_loop3A_490 = arith.constant 16 : i32
        %parallel_loop3A_491 = arith.muli %parallel_loop3A_489, %parallel_loop3A_490 : i32
        %parallel_loop3A_492 = arith.index_cast %parallel_loop3A_491 : i32 to index
        %parallel_loop3A_493 = tpu.vector_load %arg20[%parallel_loop3A_492] {strides = array<i32>} : memref<4096xi32, #tpu.memory_space<vmem>>, vector<16xi32>,
        %parallel_loop3A_494 = arith.index_cast %parallel_loop3A_491 : i32 to index
        %parallel_loop3A_495 = tpu.vector_load %arg21[%parallel_loop3A_494] {strides = array<i32>} : memref<4096xi32, #tpu.memory_space<vmem>>, vector<16xi32>,
        %parallel_loop3A_496 = arith.index_cast %parallel_loop3A_491 : i32 to index
        %parallel_loop3A_497 = tpu.vector_load %arg22[%parallel_loop3A_496] {strides = array<i32>} : memref<4096xf32, #tpu.memory_space<vmem>>, vector<16xf32>,
        %parallel_loop3A_498 = arith.index_cast %parallel_loop3A_491 : i32 to index
        %parallel_loop3A_499 = tpu.vector_load %arg23[%parallel_loop3A_498] {strides = array<i32>} : memref<4096xi32, #tpu.memory_space<vmem>>, vector<16xi32>,
        %parallel_loop3A_500 = arith.constant 3 : i32
        %parallel_loop3A_501 = vector.broadcast %parallel_loop3A_500 : i32 to vector<16xi32>
        %parallel_loop3A_502 = arith.shrsi %parallel_loop3A_493, %parallel_loop3A_501 : vector<16xi32>
        %parallel_loop3A_503 = arith.constant 3 : i32
        %parallel_loop3A_504 = vector.broadcast %parallel_loop3A_503 : i32 to vector<16xi32>
        %parallel_loop3A_505 = arith.shrsi %parallel_loop3A_495, %parallel_loop3A_504 : vector<16xi32>
        %parallel_loop3A_506 = arith.constant 25 : i32
        %parallel_loop3A_507 = vector.broadcast %parallel_loop3A_506 : i32 to vector<16xi32>
        %parallel_loop3A_508 = arith.minsi %parallel_loop3A_505, %parallel_loop3A_507 : vector<16xi32>
        %parallel_loop3A_509 = arith.constant 8.000000e+00 : f32
        %parallel_loop3A_510 = vector.broadcast %parallel_loop3A_509 : f32 to vector<16xf32>
        %parallel_loop3A_511 = arith.mulf %parallel_loop3A_497, %parallel_loop3A_510 : vector<16xf32>
        %parallel_loop3A_512 = arith.fptosi %parallel_loop3A_511 : vector<16xf32> to vector<16xi32>
        %parallel_loop3A_513 = arith.constant 3 : i32
        %parallel_loop3A_514 = vector.broadcast %parallel_loop3A_513 : i32 to vector<16xi32>
        %parallel_loop3A_515 = arith.shli %parallel_loop3A_499, %parallel_loop3A_514 : vector<16xi32>
        %parallel_loop3A_516 = arith.addi %parallel_loop3A_515, %parallel_loop3A_512 : vector<16xi32>
        %parallel_loop3A_517 = arith.constant 1040 : i32
        %parallel_loop3A_518 = vector.broadcast %parallel_loop3A_517 : i32 to vector<16xi32>
        %parallel_loop3A_519 = arith.muli %parallel_loop3A_516, %parallel_loop3A_518 : vector<16xi32>
        %parallel_loop3A_520 = arith.constant 40 : i32
        %parallel_loop3A_521 = vector.broadcast %parallel_loop3A_520 : i32 to vector<16xi32>
        %parallel_loop3A_522 = arith.muli %parallel_loop3A_508, %parallel_loop3A_521 : vector<16xi32>
        %parallel_loop3A_523 = arith.addi %parallel_loop3A_519, %parallel_loop3A_522 : vector<16xi32>
        %parallel_loop3A_524 = arith.addi %parallel_loop3A_523, %parallel_loop3A_502 : vector<16xi32>
        tpu.vector_store_idx %arg24[%parallel_loop3A_524], %broadcast_in_dim3A_5 {add = true} : memref<16640xf32, #tpu.memory_space<vmem>>[vector<16xi32>], vector<16xf32>,
      } {sc.loop_unroll_factor = 8 : i64, sc.parallel_access}
      %add3A_480 = arith.constant 4 : i32
      %add3A_481 = arith.addi %add3A_460, %add3A_480 : i32
      %sub3A_482 = arith.constant 1 : i32
      %sub3A_483 = arith.subi %add3A_481, %sub3A_482 : i32
      %lt3A_484 = arith.constant 64 : i32
      %lt3A_485 = arith.cmpi slt, %sub3A_483, %lt3A_484 : i32
      %convert_element_type3A_486 = arith.extui %lt3A_485 : i1 to i32
      %cond3A_487 = arith.constant 0 : i32
      %cond3A_488 = arith.cmpi ne, %convert_element_type3A_486, %cond3A_487 : i32
      scf.if %cond3A_488 {
        %add3A_489 = arith.constant 4 : i32
        %add3A_490 = arith.addi %add3A_460, %add3A_489 : i32
        %sub3A_491 = arith.constant 1 : i32
        %sub3A_492 = arith.subi %add3A_490, %sub3A_491 : i32
        %mul3A_493 = arith.constant 4096 : i32
        %mul3A_494 = arith.muli %sub3A_492, %mul3A_493 : i32
        %add3A_495 = arith.addi %mul3A_2, %mul3A_494 : i32
        %dma_start3A_496 = tpu.memref_slice %arg2[%add3A_495] : memref<8388608xi32, #tpu.memory_space<hbm>> -> memref<4096xi32, #tpu.memory_space<hbm>>
        %dma_start3A_497 = tpu.memref_slice %arg2[%add3A_495] : memref<8388608xi32, #tpu.memory_space<hbm>> -> memref<4096xi32, #tpu.memory_space<hbm>>
        tpu.enqueue_dma source(%dma_start3A_497 : memref<4096xi32, #tpu.memory_space<hbm>>) target(%arg16 : memref<4096xi32, #tpu.memory_space<vmem>>) target_semaphore(%arg29 : memref<!tpu.dma_semaphore, #tpu.memory_space<semaphore_mem>>)
        %dma_start3A_498 = tpu.memref_slice %arg3[%add3A_495] : memref<8388608xi32, #tpu.memory_space<hbm>> -> memref<4096xi32, #tpu.memory_space<hbm>>
        %dma_start3A_499 = tpu.memref_slice %arg3[%add3A_495] : memref<8388608xi32, #tpu.memory_space<hbm>> -> memref<4096xi32, #tpu.memory_space<hbm>>
        tpu.enqueue_dma source(%dma_start3A_499 : memref<4096xi32, #tpu.memory_space<hbm>>) target(%arg17 : memref<4096xi32, #tpu.memory_space<vmem>>) target_semaphore(%arg29 : memref<!tpu.dma_semaphore, #tpu.memory_space<semaphore_mem>>)
        %dma_start3A_500 = tpu.memref_slice %arg4[%add3A_495] : memref<8388608xf32, #tpu.memory_space<hbm>> -> memref<4096xf32, #tpu.memory_space<hbm>>
        %dma_start3A_501 = tpu.memref_slice %arg4[%add3A_495] : memref<8388608xf32, #tpu.memory_space<hbm>> -> memref<4096xf32, #tpu.memory_space<hbm>>
        tpu.enqueue_dma source(%dma_start3A_501 : memref<4096xf32, #tpu.memory_space<hbm>>) target(%arg18 : memref<4096xf32, #tpu.memory_space<vmem>>) target_semaphore(%arg29 : memref<!tpu.dma_semaphore, #tpu.memory_space<semaphore_mem>>)
        %dma_start3A_502 = tpu.memref_slice %arg5[%add3A_495] : memref<8388608xi32, #tpu.memory_space<hbm>> -> memref<4096xi32, #tpu.memory_space<hbm>>
        %dma_start3A_503 = tpu.memref_slice %arg5[%add3A_495] : memref<8388608xi32, #tpu.memory_space<hbm>> -> memref<4096xi32, #tpu.memory_space<hbm>>
        tpu.enqueue_dma source(%dma_start3A_503 : memref<4096xi32, #tpu.memory_space<hbm>>) target(%arg19 : memref<4096xi32, #tpu.memory_space<vmem>>) target_semaphore(%arg29 : memref<!tpu.dma_semaphore, #tpu.memory_space<semaphore_mem>>)
      } else {
      }
    }
    %scan3A_45 = arith.constant 16 : i32
    %mul3A_46 = arith.constant 16 : i32
    %mul3A_47 = arith.muli %arg0, %mul3A_46 : i32
    %add3A_48 = arith.addi %mul3A_47, %arg1 : i32
    %mul3A_49 = arith.constant 16640 : i32
    %mul3A_50 = arith.muli %add3A_48, %mul3A_49 : i32
    "tpu.region"() ({
      %run_scoped3A = tpu.sem_alloc : memref<!tpu.dma_semaphore, #tpu.memory_space<semaphore_mem>>
      %dma_start3A_365 = tpu.memref_slice %arg7[%mul3A_50] : memref<532480xf32, #tpu.memory_space<hbm>> -> memref<16640xf32, #tpu.memory_space<hbm>>
      %dma_start3A_366 = tpu.memref_slice %arg7[%mul3A_50] : memref<532480xf32, #tpu.memory_space<hbm>> -> memref<16640xf32, #tpu.memory_space<hbm>>
      tpu.enqueue_dma source(%arg24 : memref<16640xf32, #tpu.memory_space<vmem>>) target(%dma_start3A_366 : memref<16640xf32, #tpu.memory_space<hbm>>) target_semaphore(%run_scoped3A : memref<!tpu.dma_semaphore, #tpu.memory_space<semaphore_mem>>)
      %dma_wait3A_367 = tpu.memref_slice %arg7[%mul3A_50] : memref<532480xf32, #tpu.memory_space<hbm>> -> memref<16640xf32, #tpu.memory_space<hbm>>
      %dma_wait3A_368 = tpu.memref_slice %arg7[%mul3A_50] : memref<532480xf32, #tpu.memory_space<hbm>> -> memref<16640xf32, #tpu.memory_space<hbm>>
      tpu.wait_dma2 semaphore(%run_scoped3A : memref<!tpu.dma_semaphore, #tpu.memory_space<semaphore_mem>>) src(%arg24 : memref<16640xf32, #tpu.memory_space<vmem>>) dst(%dma_wait3A_368 : memref<16640xf32, #tpu.memory_space<hbm>>)
      tpu.yield
    }) : () -> ()
    %barrier3A = arith.constant 0 : index
    tpu.barrier barrier_id(%barrier3A)
    %mul3A_51 = arith.constant 1040 : i32
    %mul3A_52 = arith.muli %arg1, %mul3A_51 : i32
    %mul3A_53 = arith.constant 16 : i32
    %mul3A_54 = arith.muli %arg0, %mul3A_53 : i32
    %add3A_55 = arith.constant 0 : i32
    %add3A_56 = arith.addi %mul3A_54, %add3A_55 : i32
    %mul3A_57 = arith.constant 16640 : i32
    %mul3A_58 = arith.muli %add3A_56, %mul3A_57 : i32
    %add3A_59 = arith.addi %mul3A_58, %mul3A_52 : i32
    %dma_start3A_60 = arith.constant 0 : i32
    %dma_start3A_61 = tpu.memref_slice %arg26[%dma_start3A_60] : memref<16640xf32, #tpu.memory_space<vmem>> -> memref<1040xf32, #tpu.memory_space<vmem>>
    %dma_start3A_62 = tpu.memref_slice %arg7[%add3A_59] : memref<532480xf32, #tpu.memory_space<hbm>> -> memref<1040xf32, #tpu.memory_space<hbm>>
    %dma_start3A_63 = arith.constant 0 : i32
    %dma_start3A_64 = tpu.memref_slice %arg26[%dma_start3A_63] : memref<16640xf32, #tpu.memory_space<vmem>> -> memref<1040xf32, #tpu.memory_space<vmem>>
    %dma_start3A_65 = tpu.memref_slice %arg7[%add3A_59] : memref<532480xf32, #tpu.memory_space<hbm>> -> memref<1040xf32, #tpu.memory_space<hbm>>
    tpu.enqueue_dma source(%dma_start3A_65 : memref<1040xf32, #tpu.memory_space<hbm>>) target(%dma_start3A_64 : memref<1040xf32, #tpu.memory_space<vmem>>) target_semaphore(%arg31 : memref<!tpu.dma_semaphore, #tpu.memory_space<semaphore_mem>>)
    %mul3A_66 = arith.constant 16 : i32
    %mul3A_67 = arith.muli %arg0, %mul3A_66 : i32
    %add3A_68 = arith.constant 1 : i32
    %add3A_69 = arith.addi %mul3A_67, %add3A_68 : i32
    %mul3A_70 = arith.constant 16640 : i32
    %mul3A_71 = arith.muli %add3A_69, %mul3A_70 : i32
    %add3A_72 = arith.addi %mul3A_71, %mul3A_52 : i32
    %dma_start3A_73 = arith.constant 1040 : i32
    %dma_start3A_74 = tpu.memref_slice %arg26[%dma_start3A_73] : memref<16640xf32, #tpu.memory_space<vmem>> -> memref<1040xf32, #tpu.memory_space<vmem>>
    %dma_start3A_75 = tpu.memref_slice %arg7[%add3A_72] : memref<532480xf32, #tpu.memory_space<hbm>> -> memref<1040xf32, #tpu.memory_space<hbm>>
    %dma_start3A_76 = arith.constant 1040 : i32
    %dma_start3A_77 = tpu.memref_slice %arg26[%dma_start3A_76] : memref<16640xf32, #tpu.memory_space<vmem>> -> memref<1040xf32, #tpu.memory_space<vmem>>
    %dma_start3A_78 = tpu.memref_slice %arg7[%add3A_72] : memref<532480xf32, #tpu.memory_space<hbm>> -> memref<1040xf32, #tpu.memory_space<hbm>>
    tpu.enqueue_dma source(%dma_start3A_78 : memref<1040xf32, #tpu.memory_space<hbm>>) target(%dma_start3A_77 : memref<1040xf32, #tpu.memory_space<vmem>>) target_semaphore(%arg31 : memref<!tpu.dma_semaphore, #tpu.memory_space<semaphore_mem>>)
    %mul3A_79 = arith.constant 16 : i32
    %mul3A_80 = arith.muli %arg0, %mul3A_79 : i32
    %add3A_81 = arith.constant 2 : i32
    %add3A_82 = arith.addi %mul3A_80, %add3A_81 : i32
    %mul3A_83 = arith.constant 16640 : i32
    %mul3A_84 = arith.muli %add3A_82, %mul3A_83 : i32
    %add3A_85 = arith.addi %mul3A_84, %mul3A_52 : i32
    %dma_start3A_86 = arith.constant 2080 : i32
    %dma_start3A_87 = tpu.memref_slice %arg26[%dma_start3A_86] : memref<16640xf32, #tpu.memory_space<vmem>> -> memref<1040xf32, #tpu.memory_space<vmem>>
    %dma_start3A_88 = tpu.memref_slice %arg7[%add3A_85] : memref<532480xf32, #tpu.memory_space<hbm>> -> memref<1040xf32, #tpu.memory_space<hbm>>
    %dma_start3A_89 = arith.constant 2080 : i32
    %dma_start3A_90 = tpu.memref_slice %arg26[%dma_start3A_89] : memref<16640xf32, #tpu.memory_space<vmem>> -> memref<1040xf32, #tpu.memory_space<vmem>>
    %dma_start3A_91 = tpu.memref_slice %arg7[%add3A_85] : memref<532480xf32, #tpu.memory_space<hbm>> -> memref<1040xf32, #tpu.memory_space<hbm>>
    tpu.enqueue_dma source(%dma_start3A_91 : memref<1040xf32, #tpu.memory_space<hbm>>) target(%dma_start3A_90 : memref<1040xf32, #tpu.memory_space<vmem>>) target_semaphore(%arg31 : memref<!tpu.dma_semaphore, #tpu.memory_space<semaphore_mem>>)
    %mul3A_92 = arith.constant 16 : i32
    %mul3A_93 = arith.muli %arg0, %mul3A_92 : i32
    %add3A_94 = arith.constant 3 : i32
    %add3A_95 = arith.addi %mul3A_93, %add3A_94 : i32
    %mul3A_96 = arith.constant 16640 : i32
    %mul3A_97 = arith.muli %add3A_95, %mul3A_96 : i32
    %add3A_98 = arith.addi %mul3A_97, %mul3A_52 : i32
    %dma_start3A_99 = arith.constant 3120 : i32
    %dma_start3A_100 = tpu.memref_slice %arg26[%dma_start3A_99] : memref<16640xf32, #tpu.memory_space<vmem>> -> memref<1040xf32, #tpu.memory_space<vmem>>
    %dma_start3A_101 = tpu.memref_slice %arg7[%add3A_98] : memref<532480xf32, #tpu.memory_space<hbm>> -> memref<1040xf32, #tpu.memory_space<hbm>>
    %dma_start3A_102 = arith.constant 3120 : i32
    %dma_start3A_103 = tpu.memref_slice %arg26[%dma_start3A_102] : memref<16640xf32, #tpu.memory_space<vmem>> -> memref<1040xf32, #tpu.memory_space<vmem>>
    %dma_start3A_104 = tpu.memref_slice %arg7[%add3A_98] : memref<532480xf32, #tpu.memory_space<hbm>> -> memref<1040xf32, #tpu.memory_space<hbm>>
    tpu.enqueue_dma source(%dma_start3A_104 : memref<1040xf32, #tpu.memory_space<hbm>>) target(%dma_start3A_103 : memref<1040xf32, #tpu.memory_space<vmem>>) target_semaphore(%arg31 : memref<!tpu.dma_semaphore, #tpu.memory_space<semaphore_mem>>)
    %mul3A_105 = arith.constant 16 : i32
    %mul3A_106 = arith.muli %arg0, %mul3A_105 : i32
    %add3A_107 = arith.constant 4 : i32
    %add3A_108 = arith.addi %mul3A_106, %add3A_107 : i32
    %mul3A_109 = arith.constant 16640 : i32
    %mul3A_110 = arith.muli %add3A_108, %mul3A_109 : i32
    %add3A_111 = arith.addi %mul3A_110, %mul3A_52 : i32
    %dma_start3A_112 = arith.constant 4160 : i32
    %dma_start3A_113 = tpu.memref_slice %arg26[%dma_start3A_112] : memref<16640xf32, #tpu.memory_space<vmem>> -> memref<1040xf32, #tpu.memory_space<vmem>>
    %dma_start3A_114 = tpu.memref_slice %arg7[%add3A_111] : memref<532480xf32, #tpu.memory_space<hbm>> -> memref<1040xf32, #tpu.memory_space<hbm>>
    %dma_start3A_115 = arith.constant 4160 : i32
    %dma_start3A_116 = tpu.memref_slice %arg26[%dma_start3A_115] : memref<16640xf32, #tpu.memory_space<vmem>> -> memref<1040xf32, #tpu.memory_space<vmem>>
    %dma_start3A_117 = tpu.memref_slice %arg7[%add3A_111] : memref<532480xf32, #tpu.memory_space<hbm>> -> memref<1040xf32, #tpu.memory_space<hbm>>
    tpu.enqueue_dma source(%dma_start3A_117 : memref<1040xf32, #tpu.memory_space<hbm>>) target(%dma_start3A_116 : memref<1040xf32, #tpu.memory_space<vmem>>) target_semaphore(%arg31 : memref<!tpu.dma_semaphore, #tpu.memory_space<semaphore_mem>>)
    %mul3A_118 = arith.constant 16 : i32
    %mul3A_119 = arith.muli %arg0, %mul3A_118 : i32
    %add3A_120 = arith.constant 5 : i32
    %add3A_121 = arith.addi %mul3A_119, %add3A_120 : i32
    %mul3A_122 = arith.constant 16640 : i32
    %mul3A_123 = arith.muli %add3A_121, %mul3A_122 : i32
    %add3A_124 = arith.addi %mul3A_123, %mul3A_52 : i32
    %dma_start3A_125 = arith.constant 5200 : i32
    %dma_start3A_126 = tpu.memref_slice %arg26[%dma_start3A_125] : memref<16640xf32, #tpu.memory_space<vmem>> -> memref<1040xf32, #tpu.memory_space<vmem>>
    %dma_start3A_127 = tpu.memref_slice %arg7[%add3A_124] : memref<532480xf32, #tpu.memory_space<hbm>> -> memref<1040xf32, #tpu.memory_space<hbm>>
    %dma_start3A_128 = arith.constant 5200 : i32
    %dma_start3A_129 = tpu.memref_slice %arg26[%dma_start3A_128] : memref<16640xf32, #tpu.memory_space<vmem>> -> memref<1040xf32, #tpu.memory_space<vmem>>
    %dma_start3A_130 = tpu.memref_slice %arg7[%add3A_124] : memref<532480xf32, #tpu.memory_space<hbm>> -> memref<1040xf32, #tpu.memory_space<hbm>>
    tpu.enqueue_dma source(%dma_start3A_130 : memref<1040xf32, #tpu.memory_space<hbm>>) target(%dma_start3A_129 : memref<1040xf32, #tpu.memory_space<vmem>>) target_semaphore(%arg31 : memref<!tpu.dma_semaphore, #tpu.memory_space<semaphore_mem>>)
    %mul3A_131 = arith.constant 16 : i32
    %mul3A_132 = arith.muli %arg0, %mul3A_131 : i32
    %add3A_133 = arith.constant 6 : i32
    %add3A_134 = arith.addi %mul3A_132, %add3A_133 : i32
    %mul3A_135 = arith.constant 16640 : i32
    %mul3A_136 = arith.muli %add3A_134, %mul3A_135 : i32
    %add3A_137 = arith.addi %mul3A_136, %mul3A_52 : i32
    %dma_start3A_138 = arith.constant 6240 : i32
    %dma_start3A_139 = tpu.memref_slice %arg26[%dma_start3A_138] : memref<16640xf32, #tpu.memory_space<vmem>> -> memref<1040xf32, #tpu.memory_space<vmem>>
    %dma_start3A_140 = tpu.memref_slice %arg7[%add3A_137] : memref<532480xf32, #tpu.memory_space<hbm>> -> memref<1040xf32, #tpu.memory_space<hbm>>
    %dma_start3A_141 = arith.constant 6240 : i32
    %dma_start3A_142 = tpu.memref_slice %arg26[%dma_start3A_141] : memref<16640xf32, #tpu.memory_space<vmem>> -> memref<1040xf32, #tpu.memory_space<vmem>>
    %dma_start3A_143 = tpu.memref_slice %arg7[%add3A_137] : memref<532480xf32, #tpu.memory_space<hbm>> -> memref<1040xf32, #tpu.memory_space<hbm>>
    tpu.enqueue_dma source(%dma_start3A_143 : memref<1040xf32, #tpu.memory_space<hbm>>) target(%dma_start3A_142 : memref<1040xf32, #tpu.memory_space<vmem>>) target_semaphore(%arg31 : memref<!tpu.dma_semaphore, #tpu.memory_space<semaphore_mem>>)
    %mul3A_144 = arith.constant 16 : i32
    %mul3A_145 = arith.muli %arg0, %mul3A_144 : i32
    %add3A_146 = arith.constant 7 : i32
    %add3A_147 = arith.addi %mul3A_145, %add3A_146 : i32
    %mul3A_148 = arith.constant 16640 : i32
    %mul3A_149 = arith.muli %add3A_147, %mul3A_148 : i32
    %add3A_150 = arith.addi %mul3A_149, %mul3A_52 : i32
    %dma_start3A_151 = arith.constant 7280 : i32
    %dma_start3A_152 = tpu.memref_slice %arg26[%dma_start3A_151] : memref<16640xf32, #tpu.memory_space<vmem>> -> memref<1040xf32, #tpu.memory_space<vmem>>
    %dma_start3A_153 = tpu.memref_slice %arg7[%add3A_150] : memref<532480xf32, #tpu.memory_space<hbm>> -> memref<1040xf32, #tpu.memory_space<hbm>>
    %dma_start3A_154 = arith.constant 7280 : i32
    %dma_start3A_155 = tpu.memref_slice %arg26[%dma_start3A_154] : memref<16640xf32, #tpu.memory_space<vmem>> -> memref<1040xf32, #tpu.memory_space<vmem>>
    %dma_start3A_156 = tpu.memref_slice %arg7[%add3A_150] : memref<532480xf32, #tpu.memory_space<hbm>> -> memref<1040xf32, #tpu.memory_space<hbm>>
    tpu.enqueue_dma source(%dma_start3A_156 : memref<1040xf32, #tpu.memory_space<hbm>>) target(%dma_start3A_155 : memref<1040xf32, #tpu.memory_space<vmem>>) target_semaphore(%arg31 : memref<!tpu.dma_semaphore, #tpu.memory_space<semaphore_mem>>)
    %mul3A_157 = arith.constant 16 : i32
    %mul3A_158 = arith.muli %arg0, %mul3A_157 : i32
    %add3A_159 = arith.constant 8 : i32
    %add3A_160 = arith.addi %mul3A_158, %add3A_159 : i32
    %mul3A_161 = arith.constant 16640 : i32
    %mul3A_162 = arith.muli %add3A_160, %mul3A_161 : i32
    %add3A_163 = arith.addi %mul3A_162, %mul3A_52 : i32
    %dma_start3A_164 = arith.constant 8320 : i32
    %dma_start3A_165 = tpu.memref_slice %arg26[%dma_start3A_164] : memref<16640xf32, #tpu.memory_space<vmem>> -> memref<1040xf32, #tpu.memory_space<vmem>>
    %dma_start3A_166 = tpu.memref_slice %arg7[%add3A_163] : memref<532480xf32, #tpu.memory_space<hbm>> -> memref<1040xf32, #tpu.memory_space<hbm>>
    %dma_start3A_167 = arith.constant 8320 : i32
    %dma_start3A_168 = tpu.memref_slice %arg26[%dma_start3A_167] : memref<16640xf32, #tpu.memory_space<vmem>> -> memref<1040xf32, #tpu.memory_space<vmem>>
    %dma_start3A_169 = tpu.memref_slice %arg7[%add3A_163] : memref<532480xf32, #tpu.memory_space<hbm>> -> memref<1040xf32, #tpu.memory_space<hbm>>
    tpu.enqueue_dma source(%dma_start3A_169 : memref<1040xf32, #tpu.memory_space<hbm>>) target(%dma_start3A_168 : memref<1040xf32, #tpu.memory_space<vmem>>) target_semaphore(%arg31 : memref<!tpu.dma_semaphore, #tpu.memory_space<semaphore_mem>>)
    %mul3A_170 = arith.constant 16 : i32
    %mul3A_171 = arith.muli %arg0, %mul3A_170 : i32
    %add3A_172 = arith.constant 9 : i32
    %add3A_173 = arith.addi %mul3A_171, %add3A_172 : i32
    %mul3A_174 = arith.constant 16640 : i32
    %mul3A_175 = arith.muli %add3A_173, %mul3A_174 : i32
    %add3A_176 = arith.addi %mul3A_175, %mul3A_52 : i32
    %dma_start3A_177 = arith.constant 9360 : i32
    %dma_start3A_178 = tpu.memref_slice %arg26[%dma_start3A_177] : memref<16640xf32, #tpu.memory_space<vmem>> -> memref<1040xf32, #tpu.memory_space<vmem>>
    %dma_start3A_179 = tpu.memref_slice %arg7[%add3A_176] : memref<532480xf32, #tpu.memory_space<hbm>> -> memref<1040xf32, #tpu.memory_space<hbm>>
    %dma_start3A_180 = arith.constant 9360 : i32
    %dma_start3A_181 = tpu.memref_slice %arg26[%dma_start3A_180] : memref<16640xf32, #tpu.memory_space<vmem>> -> memref<1040xf32, #tpu.memory_space<vmem>>
    %dma_start3A_182 = tpu.memref_slice %arg7[%add3A_176] : memref<532480xf32, #tpu.memory_space<hbm>> -> memref<1040xf32, #tpu.memory_space<hbm>>
    tpu.enqueue_dma source(%dma_start3A_182 : memref<1040xf32, #tpu.memory_space<hbm>>) target(%dma_start3A_181 : memref<1040xf32, #tpu.memory_space<vmem>>) target_semaphore(%arg31 : memref<!tpu.dma_semaphore, #tpu.memory_space<semaphore_mem>>)
    %mul3A_183 = arith.constant 16 : i32
    %mul3A_184 = arith.muli %arg0, %mul3A_183 : i32
    %add3A_185 = arith.constant 10 : i32
    %add3A_186 = arith.addi %mul3A_184, %add3A_185 : i32
    %mul3A_187 = arith.constant 16640 : i32
    %mul3A_188 = arith.muli %add3A_186, %mul3A_187 : i32
    %add3A_189 = arith.addi %mul3A_188, %mul3A_52 : i32
    %dma_start3A_190 = arith.constant 10400 : i32
    %dma_start3A_191 = tpu.memref_slice %arg26[%dma_start3A_190] : memref<16640xf32, #tpu.memory_space<vmem>> -> memref<1040xf32, #tpu.memory_space<vmem>>
    %dma_start3A_192 = tpu.memref_slice %arg7[%add3A_189] : memref<532480xf32, #tpu.memory_space<hbm>> -> memref<1040xf32, #tpu.memory_space<hbm>>
    %dma_start3A_193 = arith.constant 10400 : i32
    %dma_start3A_194 = tpu.memref_slice %arg26[%dma_start3A_193] : memref<16640xf32, #tpu.memory_space<vmem>> -> memref<1040xf32, #tpu.memory_space<vmem>>
    %dma_start3A_195 = tpu.memref_slice %arg7[%add3A_189] : memref<532480xf32, #tpu.memory_space<hbm>> -> memref<1040xf32, #tpu.memory_space<hbm>>
    tpu.enqueue_dma source(%dma_start3A_195 : memref<1040xf32, #tpu.memory_space<hbm>>) target(%dma_start3A_194 : memref<1040xf32, #tpu.memory_space<vmem>>) target_semaphore(%arg31 : memref<!tpu.dma_semaphore, #tpu.memory_space<semaphore_mem>>)
    %mul3A_196 = arith.constant 16 : i32
    %mul3A_197 = arith.muli %arg0, %mul3A_196 : i32
    %add3A_198 = arith.constant 11 : i32
    %add3A_199 = arith.addi %mul3A_197, %add3A_198 : i32
    %mul3A_200 = arith.constant 16640 : i32
    %mul3A_201 = arith.muli %add3A_199, %mul3A_200 : i32
    %add3A_202 = arith.addi %mul3A_201, %mul3A_52 : i32
    %dma_start3A_203 = arith.constant 11440 : i32
    %dma_start3A_204 = tpu.memref_slice %arg26[%dma_start3A_203] : memref<16640xf32, #tpu.memory_space<vmem>> -> memref<1040xf32, #tpu.memory_space<vmem>>
    %dma_start3A_205 = tpu.memref_slice %arg7[%add3A_202] : memref<532480xf32, #tpu.memory_space<hbm>> -> memref<1040xf32, #tpu.memory_space<hbm>>
    %dma_start3A_206 = arith.constant 11440 : i32
    %dma_start3A_207 = tpu.memref_slice %arg26[%dma_start3A_206] : memref<16640xf32, #tpu.memory_space<vmem>> -> memref<1040xf32, #tpu.memory_space<vmem>>
    %dma_start3A_208 = tpu.memref_slice %arg7[%add3A_202] : memref<532480xf32, #tpu.memory_space<hbm>> -> memref<1040xf32, #tpu.memory_space<hbm>>
    tpu.enqueue_dma source(%dma_start3A_208 : memref<1040xf32, #tpu.memory_space<hbm>>) target(%dma_start3A_207 : memref<1040xf32, #tpu.memory_space<vmem>>) target_semaphore(%arg31 : memref<!tpu.dma_semaphore, #tpu.memory_space<semaphore_mem>>)
    %mul3A_209 = arith.constant 16 : i32
    %mul3A_210 = arith.muli %arg0, %mul3A_209 : i32
    %add3A_211 = arith.constant 12 : i32
    %add3A_212 = arith.addi %mul3A_210, %add3A_211 : i32
    %mul3A_213 = arith.constant 16640 : i32
    %mul3A_214 = arith.muli %add3A_212, %mul3A_213 : i32
    %add3A_215 = arith.addi %mul3A_214, %mul3A_52 : i32
    %dma_start3A_216 = arith.constant 12480 : i32
    %dma_start3A_217 = tpu.memref_slice %arg26[%dma_start3A_216] : memref<16640xf32, #tpu.memory_space<vmem>> -> memref<1040xf32, #tpu.memory_space<vmem>>
    %dma_start3A_218 = tpu.memref_slice %arg7[%add3A_215] : memref<532480xf32, #tpu.memory_space<hbm>> -> memref<1040xf32, #tpu.memory_space<hbm>>
    %dma_start3A_219 = arith.constant 12480 : i32
    %dma_start3A_220 = tpu.memref_slice %arg26[%dma_start3A_219] : memref<16640xf32, #tpu.memory_space<vmem>> -> memref<1040xf32, #tpu.memory_space<vmem>>
    %dma_start3A_221 = tpu.memref_slice %arg7[%add3A_215] : memref<532480xf32, #tpu.memory_space<hbm>> -> memref<1040xf32, #tpu.memory_space<hbm>>
    tpu.enqueue_dma source(%dma_start3A_221 : memref<1040xf32, #tpu.memory_space<hbm>>) target(%dma_start3A_220 : memref<1040xf32, #tpu.memory_space<vmem>>) target_semaphore(%arg31 : memref<!tpu.dma_semaphore, #tpu.memory_space<semaphore_mem>>)
    %mul3A_222 = arith.constant 16 : i32
    %mul3A_223 = arith.muli %arg0, %mul3A_222 : i32
    %add3A_224 = arith.constant 13 : i32
    %add3A_225 = arith.addi %mul3A_223, %add3A_224 : i32
    %mul3A_226 = arith.constant 16640 : i32
    %mul3A_227 = arith.muli %add3A_225, %mul3A_226 : i32
    %add3A_228 = arith.addi %mul3A_227, %mul3A_52 : i32
    %dma_start3A_229 = arith.constant 13520 : i32
    %dma_start3A_230 = tpu.memref_slice %arg26[%dma_start3A_229] : memref<16640xf32, #tpu.memory_space<vmem>> -> memref<1040xf32, #tpu.memory_space<vmem>>
    %dma_start3A_231 = tpu.memref_slice %arg7[%add3A_228] : memref<532480xf32, #tpu.memory_space<hbm>> -> memref<1040xf32, #tpu.memory_space<hbm>>
    %dma_start3A_232 = arith.constant 13520 : i32
    %dma_start3A_233 = tpu.memref_slice %arg26[%dma_start3A_232] : memref<16640xf32, #tpu.memory_space<vmem>> -> memref<1040xf32, #tpu.memory_space<vmem>>
    %dma_start3A_234 = tpu.memref_slice %arg7[%add3A_228] : memref<532480xf32, #tpu.memory_space<hbm>> -> memref<1040xf32, #tpu.memory_space<hbm>>
    tpu.enqueue_dma source(%dma_start3A_234 : memref<1040xf32, #tpu.memory_space<hbm>>) target(%dma_start3A_233 : memref<1040xf32, #tpu.memory_space<vmem>>) target_semaphore(%arg31 : memref<!tpu.dma_semaphore, #tpu.memory_space<semaphore_mem>>)
    %mul3A_235 = arith.constant 16 : i32
    %mul3A_236 = arith.muli %arg0, %mul3A_235 : i32
    %add3A_237 = arith.constant 14 : i32
    %add3A_238 = arith.addi %mul3A_236, %add3A_237 : i32
    %mul3A_239 = arith.constant 16640 : i32
    %mul3A_240 = arith.muli %add3A_238, %mul3A_239 : i32
    %add3A_241 = arith.addi %mul3A_240, %mul3A_52 : i32
    %dma_start3A_242 = arith.constant 14560 : i32
    %dma_start3A_243 = tpu.memref_slice %arg26[%dma_start3A_242] : memref<16640xf32, #tpu.memory_space<vmem>> -> memref<1040xf32, #tpu.memory_space<vmem>>
    %dma_start3A_244 = tpu.memref_slice %arg7[%add3A_241] : memref<532480xf32, #tpu.memory_space<hbm>> -> memref<1040xf32, #tpu.memory_space<hbm>>
    %dma_start3A_245 = arith.constant 14560 : i32
    %dma_start3A_246 = tpu.memref_slice %arg26[%dma_start3A_245] : memref<16640xf32, #tpu.memory_space<vmem>> -> memref<1040xf32, #tpu.memory_space<vmem>>
    %dma_start3A_247 = tpu.memref_slice %arg7[%add3A_241] : memref<532480xf32, #tpu.memory_space<hbm>> -> memref<1040xf32, #tpu.memory_space<hbm>>
    tpu.enqueue_dma source(%dma_start3A_247 : memref<1040xf32, #tpu.memory_space<hbm>>) target(%dma_start3A_246 : memref<1040xf32, #tpu.memory_space<vmem>>) target_semaphore(%arg31 : memref<!tpu.dma_semaphore, #tpu.memory_space<semaphore_mem>>)
    %mul3A_248 = arith.constant 16 : i32
    %mul3A_249 = arith.muli %arg0, %mul3A_248 : i32
    %add3A_250 = arith.constant 15 : i32
    %add3A_251 = arith.addi %mul3A_249, %add3A_250 : i32
    %mul3A_252 = arith.constant 16640 : i32
    %mul3A_253 = arith.muli %add3A_251, %mul3A_252 : i32
    %add3A_254 = arith.addi %mul3A_253, %mul3A_52 : i32
    %dma_start3A_255 = arith.constant 15600 : i32
    %dma_start3A_256 = tpu.memref_slice %arg26[%dma_start3A_255] : memref<16640xf32, #tpu.memory_space<vmem>> -> memref<1040xf32, #tpu.memory_space<vmem>>
    %dma_start3A_257 = tpu.memref_slice %arg7[%add3A_254] : memref<532480xf32, #tpu.memory_space<hbm>> -> memref<1040xf32, #tpu.memory_space<hbm>>
    %dma_start3A_258 = arith.constant 15600 : i32
    %dma_start3A_259 = tpu.memref_slice %arg26[%dma_start3A_258] : memref<16640xf32, #tpu.memory_space<vmem>> -> memref<1040xf32, #tpu.memory_space<vmem>>
    %dma_start3A_260 = tpu.memref_slice %arg7[%add3A_254] : memref<532480xf32, #tpu.memory_space<hbm>> -> memref<1040xf32, #tpu.memory_space<hbm>>
    tpu.enqueue_dma source(%dma_start3A_260 : memref<1040xf32, #tpu.memory_space<hbm>>) target(%dma_start3A_259 : memref<1040xf32, #tpu.memory_space<vmem>>) target_semaphore(%arg31 : memref<!tpu.dma_semaphore, #tpu.memory_space<semaphore_mem>>)
    %dma_wait3A = arith.constant 0 : i32
    %dma_wait3A_261 = tpu.memref_slice %arg26[%dma_wait3A] : memref<16640xf32, #tpu.memory_space<vmem>> -> memref<1040xf32, #tpu.memory_space<vmem>>
    %dma_wait3A_262 = tpu.memref_slice %arg7[%add3A_59] : memref<532480xf32, #tpu.memory_space<hbm>> -> memref<1040xf32, #tpu.memory_space<hbm>>
    %dma_wait3A_263 = arith.constant 0 : i32
    %dma_wait3A_264 = tpu.memref_slice %arg26[%dma_wait3A_263] : memref<16640xf32, #tpu.memory_space<vmem>> -> memref<1040xf32, #tpu.memory_space<vmem>>
    %dma_wait3A_265 = tpu.memref_slice %arg7[%add3A_59] : memref<532480xf32, #tpu.memory_space<hbm>> -> memref<1040xf32, #tpu.memory_space<hbm>>
    tpu.wait_dma2 semaphore(%arg31 : memref<!tpu.dma_semaphore, #tpu.memory_space<semaphore_mem>>) src(%dma_wait3A_265 : memref<1040xf32, #tpu.memory_space<hbm>>) dst(%dma_wait3A_264 : memref<1040xf32, #tpu.memory_space<vmem>>)
    %dma_wait3A_266 = arith.constant 1040 : i32
    %dma_wait3A_267 = tpu.memref_slice %arg26[%dma_wait3A_266] : memref<16640xf32, #tpu.memory_space<vmem>> -> memref<1040xf32, #tpu.memory_space<vmem>>
    %dma_wait3A_268 = tpu.memref_slice %arg7[%add3A_72] : memref<532480xf32, #tpu.memory_space<hbm>> -> memref<1040xf32, #tpu.memory_space<hbm>>
    %dma_wait3A_269 = arith.constant 1040 : i32
    %dma_wait3A_270 = tpu.memref_slice %arg26[%dma_wait3A_269] : memref<16640xf32, #tpu.memory_space<vmem>> -> memref<1040xf32, #tpu.memory_space<vmem>>
    %dma_wait3A_271 = tpu.memref_slice %arg7[%add3A_72] : memref<532480xf32, #tpu.memory_space<hbm>> -> memref<1040xf32, #tpu.memory_space<hbm>>
    tpu.wait_dma2 semaphore(%arg31 : memref<!tpu.dma_semaphore, #tpu.memory_space<semaphore_mem>>) src(%dma_wait3A_271 : memref<1040xf32, #tpu.memory_space<hbm>>) dst(%dma_wait3A_270 : memref<1040xf32, #tpu.memory_space<vmem>>)
    %dma_wait3A_272 = arith.constant 2080 : i32
    %dma_wait3A_273 = tpu.memref_slice %arg26[%dma_wait3A_272] : memref<16640xf32, #tpu.memory_space<vmem>> -> memref<1040xf32, #tpu.memory_space<vmem>>
    %dma_wait3A_274 = tpu.memref_slice %arg7[%add3A_85] : memref<532480xf32, #tpu.memory_space<hbm>> -> memref<1040xf32, #tpu.memory_space<hbm>>
    %dma_wait3A_275 = arith.constant 2080 : i32
    %dma_wait3A_276 = tpu.memref_slice %arg26[%dma_wait3A_275] : memref<16640xf32, #tpu.memory_space<vmem>> -> memref<1040xf32, #tpu.memory_space<vmem>>
    %dma_wait3A_277 = tpu.memref_slice %arg7[%add3A_85] : memref<532480xf32, #tpu.memory_space<hbm>> -> memref<1040xf32, #tpu.memory_space<hbm>>
    tpu.wait_dma2 semaphore(%arg31 : memref<!tpu.dma_semaphore, #tpu.memory_space<semaphore_mem>>) src(%dma_wait3A_277 : memref<1040xf32, #tpu.memory_space<hbm>>) dst(%dma_wait3A_276 : memref<1040xf32, #tpu.memory_space<vmem>>)
    %dma_wait3A_278 = arith.constant 3120 : i32
    %dma_wait3A_279 = tpu.memref_slice %arg26[%dma_wait3A_278] : memref<16640xf32, #tpu.memory_space<vmem>> -> memref<1040xf32, #tpu.memory_space<vmem>>
    %dma_wait3A_280 = tpu.memref_slice %arg7[%add3A_98] : memref<532480xf32, #tpu.memory_space<hbm>> -> memref<1040xf32, #tpu.memory_space<hbm>>
    %dma_wait3A_281 = arith.constant 3120 : i32
    %dma_wait3A_282 = tpu.memref_slice %arg26[%dma_wait3A_281] : memref<16640xf32, #tpu.memory_space<vmem>> -> memref<1040xf32, #tpu.memory_space<vmem>>
    %dma_wait3A_283 = tpu.memref_slice %arg7[%add3A_98] : memref<532480xf32, #tpu.memory_space<hbm>> -> memref<1040xf32, #tpu.memory_space<hbm>>
    tpu.wait_dma2 semaphore(%arg31 : memref<!tpu.dma_semaphore, #tpu.memory_space<semaphore_mem>>) src(%dma_wait3A_283 : memref<1040xf32, #tpu.memory_space<hbm>>) dst(%dma_wait3A_282 : memref<1040xf32, #tpu.memory_space<vmem>>)
    %dma_wait3A_284 = arith.constant 4160 : i32
    %dma_wait3A_285 = tpu.memref_slice %arg26[%dma_wait3A_284] : memref<16640xf32, #tpu.memory_space<vmem>> -> memref<1040xf32, #tpu.memory_space<vmem>>
    %dma_wait3A_286 = tpu.memref_slice %arg7[%add3A_111] : memref<532480xf32, #tpu.memory_space<hbm>> -> memref<1040xf32, #tpu.memory_space<hbm>>
    %dma_wait3A_287 = arith.constant 4160 : i32
    %dma_wait3A_288 = tpu.memref_slice %arg26[%dma_wait3A_287] : memref<16640xf32, #tpu.memory_space<vmem>> -> memref<1040xf32, #tpu.memory_space<vmem>>
    %dma_wait3A_289 = tpu.memref_slice %arg7[%add3A_111] : memref<532480xf32, #tpu.memory_space<hbm>> -> memref<1040xf32, #tpu.memory_space<hbm>>
    tpu.wait_dma2 semaphore(%arg31 : memref<!tpu.dma_semaphore, #tpu.memory_space<semaphore_mem>>) src(%dma_wait3A_289 : memref<1040xf32, #tpu.memory_space<hbm>>) dst(%dma_wait3A_288 : memref<1040xf32, #tpu.memory_space<vmem>>)
    %dma_wait3A_290 = arith.constant 5200 : i32
    %dma_wait3A_291 = tpu.memref_slice %arg26[%dma_wait3A_290] : memref<16640xf32, #tpu.memory_space<vmem>> -> memref<1040xf32, #tpu.memory_space<vmem>>
    %dma_wait3A_292 = tpu.memref_slice %arg7[%add3A_124] : memref<532480xf32, #tpu.memory_space<hbm>> -> memref<1040xf32, #tpu.memory_space<hbm>>
    %dma_wait3A_293 = arith.constant 5200 : i32
    %dma_wait3A_294 = tpu.memref_slice %arg26[%dma_wait3A_293] : memref<16640xf32, #tpu.memory_space<vmem>> -> memref<1040xf32, #tpu.memory_space<vmem>>
    %dma_wait3A_295 = tpu.memref_slice %arg7[%add3A_124] : memref<532480xf32, #tpu.memory_space<hbm>> -> memref<1040xf32, #tpu.memory_space<hbm>>
    tpu.wait_dma2 semaphore(%arg31 : memref<!tpu.dma_semaphore, #tpu.memory_space<semaphore_mem>>) src(%dma_wait3A_295 : memref<1040xf32, #tpu.memory_space<hbm>>) dst(%dma_wait3A_294 : memref<1040xf32, #tpu.memory_space<vmem>>)
    %dma_wait3A_296 = arith.constant 6240 : i32
    %dma_wait3A_297 = tpu.memref_slice %arg26[%dma_wait3A_296] : memref<16640xf32, #tpu.memory_space<vmem>> -> memref<1040xf32, #tpu.memory_space<vmem>>
    %dma_wait3A_298 = tpu.memref_slice %arg7[%add3A_137] : memref<532480xf32, #tpu.memory_space<hbm>> -> memref<1040xf32, #tpu.memory_space<hbm>>
    %dma_wait3A_299 = arith.constant 6240 : i32
    %dma_wait3A_300 = tpu.memref_slice %arg26[%dma_wait3A_299] : memref<16640xf32, #tpu.memory_space<vmem>> -> memref<1040xf32, #tpu.memory_space<vmem>>
    %dma_wait3A_301 = tpu.memref_slice %arg7[%add3A_137] : memref<532480xf32, #tpu.memory_space<hbm>> -> memref<1040xf32, #tpu.memory_space<hbm>>
    tpu.wait_dma2 semaphore(%arg31 : memref<!tpu.dma_semaphore, #tpu.memory_space<semaphore_mem>>) src(%dma_wait3A_301 : memref<1040xf32, #tpu.memory_space<hbm>>) dst(%dma_wait3A_300 : memref<1040xf32, #tpu.memory_space<vmem>>)
    %dma_wait3A_302 = arith.constant 7280 : i32
    %dma_wait3A_303 = tpu.memref_slice %arg26[%dma_wait3A_302] : memref<16640xf32, #tpu.memory_space<vmem>> -> memref<1040xf32, #tpu.memory_space<vmem>>
    %dma_wait3A_304 = tpu.memref_slice %arg7[%add3A_150] : memref<532480xf32, #tpu.memory_space<hbm>> -> memref<1040xf32, #tpu.memory_space<hbm>>
    %dma_wait3A_305 = arith.constant 7280 : i32
    %dma_wait3A_306 = tpu.memref_slice %arg26[%dma_wait3A_305] : memref<16640xf32, #tpu.memory_space<vmem>> -> memref<1040xf32, #tpu.memory_space<vmem>>
    %dma_wait3A_307 = tpu.memref_slice %arg7[%add3A_150] : memref<532480xf32, #tpu.memory_space<hbm>> -> memref<1040xf32, #tpu.memory_space<hbm>>
    tpu.wait_dma2 semaphore(%arg31 : memref<!tpu.dma_semaphore, #tpu.memory_space<semaphore_mem>>) src(%dma_wait3A_307 : memref<1040xf32, #tpu.memory_space<hbm>>) dst(%dma_wait3A_306 : memref<1040xf32, #tpu.memory_space<vmem>>)
    %dma_wait3A_308 = arith.constant 8320 : i32
    %dma_wait3A_309 = tpu.memref_slice %arg26[%dma_wait3A_308] : memref<16640xf32, #tpu.memory_space<vmem>> -> memref<1040xf32, #tpu.memory_space<vmem>>
    %dma_wait3A_310 = tpu.memref_slice %arg7[%add3A_163] : memref<532480xf32, #tpu.memory_space<hbm>> -> memref<1040xf32, #tpu.memory_space<hbm>>
    %dma_wait3A_311 = arith.constant 8320 : i32
    %dma_wait3A_312 = tpu.memref_slice %arg26[%dma_wait3A_311] : memref<16640xf32, #tpu.memory_space<vmem>> -> memref<1040xf32, #tpu.memory_space<vmem>>
    %dma_wait3A_313 = tpu.memref_slice %arg7[%add3A_163] : memref<532480xf32, #tpu.memory_space<hbm>> -> memref<1040xf32, #tpu.memory_space<hbm>>
    tpu.wait_dma2 semaphore(%arg31 : memref<!tpu.dma_semaphore, #tpu.memory_space<semaphore_mem>>) src(%dma_wait3A_313 : memref<1040xf32, #tpu.memory_space<hbm>>) dst(%dma_wait3A_312 : memref<1040xf32, #tpu.memory_space<vmem>>)
    %dma_wait3A_314 = arith.constant 9360 : i32
    %dma_wait3A_315 = tpu.memref_slice %arg26[%dma_wait3A_314] : memref<16640xf32, #tpu.memory_space<vmem>> -> memref<1040xf32, #tpu.memory_space<vmem>>
    %dma_wait3A_316 = tpu.memref_slice %arg7[%add3A_176] : memref<532480xf32, #tpu.memory_space<hbm>> -> memref<1040xf32, #tpu.memory_space<hbm>>
    %dma_wait3A_317 = arith.constant 9360 : i32
    %dma_wait3A_318 = tpu.memref_slice %arg26[%dma_wait3A_317] : memref<16640xf32, #tpu.memory_space<vmem>> -> memref<1040xf32, #tpu.memory_space<vmem>>
    %dma_wait3A_319 = tpu.memref_slice %arg7[%add3A_176] : memref<532480xf32, #tpu.memory_space<hbm>> -> memref<1040xf32, #tpu.memory_space<hbm>>
    tpu.wait_dma2 semaphore(%arg31 : memref<!tpu.dma_semaphore, #tpu.memory_space<semaphore_mem>>) src(%dma_wait3A_319 : memref<1040xf32, #tpu.memory_space<hbm>>) dst(%dma_wait3A_318 : memref<1040xf32, #tpu.memory_space<vmem>>)
    %dma_wait3A_320 = arith.constant 10400 : i32
    %dma_wait3A_321 = tpu.memref_slice %arg26[%dma_wait3A_320] : memref<16640xf32, #tpu.memory_space<vmem>> -> memref<1040xf32, #tpu.memory_space<vmem>>
    %dma_wait3A_322 = tpu.memref_slice %arg7[%add3A_189] : memref<532480xf32, #tpu.memory_space<hbm>> -> memref<1040xf32, #tpu.memory_space<hbm>>
    %dma_wait3A_323 = arith.constant 10400 : i32
    %dma_wait3A_324 = tpu.memref_slice %arg26[%dma_wait3A_323] : memref<16640xf32, #tpu.memory_space<vmem>> -> memref<1040xf32, #tpu.memory_space<vmem>>
    %dma_wait3A_325 = tpu.memref_slice %arg7[%add3A_189] : memref<532480xf32, #tpu.memory_space<hbm>> -> memref<1040xf32, #tpu.memory_space<hbm>>
    tpu.wait_dma2 semaphore(%arg31 : memref<!tpu.dma_semaphore, #tpu.memory_space<semaphore_mem>>) src(%dma_wait3A_325 : memref<1040xf32, #tpu.memory_space<hbm>>) dst(%dma_wait3A_324 : memref<1040xf32, #tpu.memory_space<vmem>>)
    %dma_wait3A_326 = arith.constant 11440 : i32
    %dma_wait3A_327 = tpu.memref_slice %arg26[%dma_wait3A_326] : memref<16640xf32, #tpu.memory_space<vmem>> -> memref<1040xf32, #tpu.memory_space<vmem>>
    %dma_wait3A_328 = tpu.memref_slice %arg7[%add3A_202] : memref<532480xf32, #tpu.memory_space<hbm>> -> memref<1040xf32, #tpu.memory_space<hbm>>
    %dma_wait3A_329 = arith.constant 11440 : i32
    %dma_wait3A_330 = tpu.memref_slice %arg26[%dma_wait3A_329] : memref<16640xf32, #tpu.memory_space<vmem>> -> memref<1040xf32, #tpu.memory_space<vmem>>
    %dma_wait3A_331 = tpu.memref_slice %arg7[%add3A_202] : memref<532480xf32, #tpu.memory_space<hbm>> -> memref<1040xf32, #tpu.memory_space<hbm>>
    tpu.wait_dma2 semaphore(%arg31 : memref<!tpu.dma_semaphore, #tpu.memory_space<semaphore_mem>>) src(%dma_wait3A_331 : memref<1040xf32, #tpu.memory_space<hbm>>) dst(%dma_wait3A_330 : memref<1040xf32, #tpu.memory_space<vmem>>)
    %dma_wait3A_332 = arith.constant 12480 : i32
    %dma_wait3A_333 = tpu.memref_slice %arg26[%dma_wait3A_332] : memref<16640xf32, #tpu.memory_space<vmem>> -> memref<1040xf32, #tpu.memory_space<vmem>>
    %dma_wait3A_334 = tpu.memref_slice %arg7[%add3A_215] : memref<532480xf32, #tpu.memory_space<hbm>> -> memref<1040xf32, #tpu.memory_space<hbm>>
    %dma_wait3A_335 = arith.constant 12480 : i32
    %dma_wait3A_336 = tpu.memref_slice %arg26[%dma_wait3A_335] : memref<16640xf32, #tpu.memory_space<vmem>> -> memref<1040xf32, #tpu.memory_space<vmem>>
    %dma_wait3A_337 = tpu.memref_slice %arg7[%add3A_215] : memref<532480xf32, #tpu.memory_space<hbm>> -> memref<1040xf32, #tpu.memory_space<hbm>>
    tpu.wait_dma2 semaphore(%arg31 : memref<!tpu.dma_semaphore, #tpu.memory_space<semaphore_mem>>) src(%dma_wait3A_337 : memref<1040xf32, #tpu.memory_space<hbm>>) dst(%dma_wait3A_336 : memref<1040xf32, #tpu.memory_space<vmem>>)
    %dma_wait3A_338 = arith.constant 13520 : i32
    %dma_wait3A_339 = tpu.memref_slice %arg26[%dma_wait3A_338] : memref<16640xf32, #tpu.memory_space<vmem>> -> memref<1040xf32, #tpu.memory_space<vmem>>
    %dma_wait3A_340 = tpu.memref_slice %arg7[%add3A_228] : memref<532480xf32, #tpu.memory_space<hbm>> -> memref<1040xf32, #tpu.memory_space<hbm>>
    %dma_wait3A_341 = arith.constant 13520 : i32
    %dma_wait3A_342 = tpu.memref_slice %arg26[%dma_wait3A_341] : memref<16640xf32, #tpu.memory_space<vmem>> -> memref<1040xf32, #tpu.memory_space<vmem>>
    %dma_wait3A_343 = tpu.memref_slice %arg7[%add3A_228] : memref<532480xf32, #tpu.memory_space<hbm>> -> memref<1040xf32, #tpu.memory_space<hbm>>
    tpu.wait_dma2 semaphore(%arg31 : memref<!tpu.dma_semaphore, #tpu.memory_space<semaphore_mem>>) src(%dma_wait3A_343 : memref<1040xf32, #tpu.memory_space<hbm>>) dst(%dma_wait3A_342 : memref<1040xf32, #tpu.memory_space<vmem>>)
    %dma_wait3A_344 = arith.constant 14560 : i32
    %dma_wait3A_345 = tpu.memref_slice %arg26[%dma_wait3A_344] : memref<16640xf32, #tpu.memory_space<vmem>> -> memref<1040xf32, #tpu.memory_space<vmem>>
    %dma_wait3A_346 = tpu.memref_slice %arg7[%add3A_241] : memref<532480xf32, #tpu.memory_space<hbm>> -> memref<1040xf32, #tpu.memory_space<hbm>>
    %dma_wait3A_347 = arith.constant 14560 : i32
    %dma_wait3A_348 = tpu.memref_slice %arg26[%dma_wait3A_347] : memref<16640xf32, #tpu.memory_space<vmem>> -> memref<1040xf32, #tpu.memory_space<vmem>>
    %dma_wait3A_349 = tpu.memref_slice %arg7[%add3A_241] : memref<532480xf32, #tpu.memory_space<hbm>> -> memref<1040xf32, #tpu.memory_space<hbm>>
    tpu.wait_dma2 semaphore(%arg31 : memref<!tpu.dma_semaphore, #tpu.memory_space<semaphore_mem>>) src(%dma_wait3A_349 : memref<1040xf32, #tpu.memory_space<hbm>>) dst(%dma_wait3A_348 : memref<1040xf32, #tpu.memory_space<vmem>>)
    %dma_wait3A_350 = arith.constant 15600 : i32
    %dma_wait3A_351 = tpu.memref_slice %arg26[%dma_wait3A_350] : memref<16640xf32, #tpu.memory_space<vmem>> -> memref<1040xf32, #tpu.memory_space<vmem>>
    %dma_wait3A_352 = tpu.memref_slice %arg7[%add3A_254] : memref<532480xf32, #tpu.memory_space<hbm>> -> memref<1040xf32, #tpu.memory_space<hbm>>
    %dma_wait3A_353 = arith.constant 15600 : i32
    %dma_wait3A_354 = tpu.memref_slice %arg26[%dma_wait3A_353] : memref<16640xf32, #tpu.memory_space<vmem>> -> memref<1040xf32, #tpu.memory_space<vmem>>
    %dma_wait3A_355 = tpu.memref_slice %arg7[%add3A_254] : memref<532480xf32, #tpu.memory_space<hbm>> -> memref<1040xf32, #tpu.memory_space<hbm>>
    tpu.wait_dma2 semaphore(%arg31 : memref<!tpu.dma_semaphore, #tpu.memory_space<semaphore_mem>>) src(%dma_wait3A_355 : memref<1040xf32, #tpu.memory_space<hbm>>) dst(%dma_wait3A_354 : memref<1040xf32, #tpu.memory_space<vmem>>)
    %scan3A_356 = arith.constant 0 : i32
    %scan3A_357 = arith.constant 0 : i32
    %scan3A_358 = arith.constant 65 : i32
    %scan3A_359 = arith.addi %scan3A_357, %scan3A_358 : i32
    %scan3A_360 = arith.constant 1 : i32
    scf.for %scan3A_365 = %scan3A_357 to %scan3A_359 step %scan3A_360  : i32 {
      %mul3A_366 = arith.constant 16 : i32
      %mul3A_367 = arith.muli %scan3A_365, %mul3A_366 : i32
      %get3A = arith.index_cast %mul3A_367 : i32 to index
      %get3A_368 = tpu.vector_load %arg26[%get3A] {strides = array<i32>} : memref<16640xf32, #tpu.memory_space<vmem>>, vector<16xf32>,
      %add3A_369 = arith.constant 1040 : i32
      %add3A_370 = arith.addi %add3A_369, %mul3A_367 : i32
      %get3A_371 = arith.index_cast %add3A_370 : i32 to index
      %get3A_372 = tpu.vector_load %arg26[%get3A_371] {strides = array<i32>} : memref<16640xf32, #tpu.memory_space<vmem>>, vector<16xf32>,
      %add3A_373 = arith.addf %get3A_368, %get3A_372 : vector<16xf32>
      %add3A_374 = arith.constant 2080 : i32
      %add3A_375 = arith.addi %add3A_374, %mul3A_367 : i32
      %get3A_376 = arith.index_cast %add3A_375 : i32 to index
      %get3A_377 = tpu.vector_load %arg26[%get3A_376] {strides = array<i32>} : memref<16640xf32, #tpu.memory_space<vmem>>, vector<16xf32>,
      %add3A_378 = arith.addf %add3A_373, %get3A_377 : vector<16xf32>
      %add3A_379 = arith.constant 3120 : i32
      %add3A_380 = arith.addi %add3A_379, %mul3A_367 : i32
      %get3A_381 = arith.index_cast %add3A_380 : i32 to index
      %get3A_382 = tpu.vector_load %arg26[%get3A_381] {strides = array<i32>} : memref<16640xf32, #tpu.memory_space<vmem>>, vector<16xf32>,
      %add3A_383 = arith.addf %add3A_378, %get3A_382 : vector<16xf32>
      %add3A_384 = arith.constant 4160 : i32
      %add3A_385 = arith.addi %add3A_384, %mul3A_367 : i32
      %get3A_386 = arith.index_cast %add3A_385 : i32 to index
      %get3A_387 = tpu.vector_load %arg26[%get3A_386] {strides = array<i32>} : memref<16640xf32, #tpu.memory_space<vmem>>, vector<16xf32>,
      %add3A_388 = arith.addf %add3A_383, %get3A_387 : vector<16xf32>
      %add3A_389 = arith.constant 5200 : i32
      %add3A_390 = arith.addi %add3A_389, %mul3A_367 : i32
      %get3A_391 = arith.index_cast %add3A_390 : i32 to index
      %get3A_392 = tpu.vector_load %arg26[%get3A_391] {strides = array<i32>} : memref<16640xf32, #tpu.memory_space<vmem>>, vector<16xf32>,
      %add3A_393 = arith.addf %add3A_388, %get3A_392 : vector<16xf32>
      %add3A_394 = arith.constant 6240 : i32
      %add3A_395 = arith.addi %add3A_394, %mul3A_367 : i32
      %get3A_396 = arith.index_cast %add3A_395 : i32 to index
      %get3A_397 = tpu.vector_load %arg26[%get3A_396] {strides = array<i32>} : memref<16640xf32, #tpu.memory_space<vmem>>, vector<16xf32>,
      %add3A_398 = arith.addf %add3A_393, %get3A_397 : vector<16xf32>
      %add3A_399 = arith.constant 7280 : i32
      %add3A_400 = arith.addi %add3A_399, %mul3A_367 : i32
      %get3A_401 = arith.index_cast %add3A_400 : i32 to index
      %get3A_402 = tpu.vector_load %arg26[%get3A_401] {strides = array<i32>} : memref<16640xf32, #tpu.memory_space<vmem>>, vector<16xf32>,
      %add3A_403 = arith.addf %add3A_398, %get3A_402 : vector<16xf32>
      %add3A_404 = arith.constant 8320 : i32
      %add3A_405 = arith.addi %add3A_404, %mul3A_367 : i32
      %get3A_406 = arith.index_cast %add3A_405 : i32 to index
      %get3A_407 = tpu.vector_load %arg26[%get3A_406] {strides = array<i32>} : memref<16640xf32, #tpu.memory_space<vmem>>, vector<16xf32>,
      %add3A_408 = arith.addf %add3A_403, %get3A_407 : vector<16xf32>
      %add3A_409 = arith.constant 9360 : i32
      %add3A_410 = arith.addi %add3A_409, %mul3A_367 : i32
      %get3A_411 = arith.index_cast %add3A_410 : i32 to index
      %get3A_412 = tpu.vector_load %arg26[%get3A_411] {strides = array<i32>} : memref<16640xf32, #tpu.memory_space<vmem>>, vector<16xf32>,
      %add3A_413 = arith.addf %add3A_408, %get3A_412 : vector<16xf32>
      %add3A_414 = arith.constant 10400 : i32
      %add3A_415 = arith.addi %add3A_414, %mul3A_367 : i32
      %get3A_416 = arith.index_cast %add3A_415 : i32 to index
      %get3A_417 = tpu.vector_load %arg26[%get3A_416] {strides = array<i32>} : memref<16640xf32, #tpu.memory_space<vmem>>, vector<16xf32>,
      %add3A_418 = arith.addf %add3A_413, %get3A_417 : vector<16xf32>
      %add3A_419 = arith.constant 11440 : i32
      %add3A_420 = arith.addi %add3A_419, %mul3A_367 : i32
      %get3A_421 = arith.index_cast %add3A_420 : i32 to index
      %get3A_422 = tpu.vector_load %arg26[%get3A_421] {strides = array<i32>} : memref<16640xf32, #tpu.memory_space<vmem>>, vector<16xf32>,
      %add3A_423 = arith.addf %add3A_418, %get3A_422 : vector<16xf32>
      %add3A_424 = arith.constant 12480 : i32
      %add3A_425 = arith.addi %add3A_424, %mul3A_367 : i32
      %get3A_426 = arith.index_cast %add3A_425 : i32 to index
      %get3A_427 = tpu.vector_load %arg26[%get3A_426] {strides = array<i32>} : memref<16640xf32, #tpu.memory_space<vmem>>, vector<16xf32>,
      %add3A_428 = arith.addf %add3A_423, %get3A_427 : vector<16xf32>
      %add3A_429 = arith.constant 13520 : i32
      %add3A_430 = arith.addi %add3A_429, %mul3A_367 : i32
      %get3A_431 = arith.index_cast %add3A_430 : i32 to index
      %get3A_432 = tpu.vector_load %arg26[%get3A_431] {strides = array<i32>} : memref<16640xf32, #tpu.memory_space<vmem>>, vector<16xf32>,
      %add3A_433 = arith.addf %add3A_428, %get3A_432 : vector<16xf32>
      %add3A_434 = arith.constant 14560 : i32
      %add3A_435 = arith.addi %add3A_434, %mul3A_367 : i32
      %get3A_436 = arith.index_cast %add3A_435 : i32 to index
      %get3A_437 = tpu.vector_load %arg26[%get3A_436] {strides = array<i32>} : memref<16640xf32, #tpu.memory_space<vmem>>, vector<16xf32>,
      %add3A_438 = arith.addf %add3A_433, %get3A_437 : vector<16xf32>
      %add3A_439 = arith.constant 15600 : i32
      %add3A_440 = arith.addi %add3A_439, %mul3A_367 : i32
      %get3A_441 = arith.index_cast %add3A_440 : i32 to index
      %get3A_442 = tpu.vector_load %arg26[%get3A_441] {strides = array<i32>} : memref<16640xf32, #tpu.memory_space<vmem>>, vector<16xf32>,
      %add3A_443 = arith.addf %add3A_438, %get3A_442 : vector<16xf32>
      %swap3A = arith.index_cast %mul3A_367 : i32 to index
      %swap3A_444 = tpu.vector_load %arg25[%swap3A] {strides = array<i32>} : memref<1040xf32, #tpu.memory_space<vmem>>, vector<16xf32>,
      tpu.vector_store %arg25[%swap3A], %add3A_443 {strides = array<i32>} : memref<1040xf32, #tpu.memory_space<vmem>>, vector<16xf32>,
    }
    %scan3A_361 = arith.constant 65 : i32
    %mul3A_362 = arith.constant 16640 : i32
    %mul3A_363 = arith.muli %arg0, %mul3A_362 : i32
    %add3A_364 = arith.addi %mul3A_363, %mul3A_52 : i32
    "tpu.region"() ({
      %run_scoped3A = tpu.sem_alloc : memref<!tpu.dma_semaphore, #tpu.memory_space<semaphore_mem>>
      %dma_start3A_365 = tpu.memref_slice %arg6[%add3A_364] : memref<33280xf32, #tpu.memory_space<hbm>> -> memref<1040xf32, #tpu.memory_space<hbm>>
      %dma_start3A_366 = tpu.memref_slice %arg6[%add3A_364] : memref<33280xf32, #tpu.memory_space<hbm>> -> memref<1040xf32, #tpu.memory_space<hbm>>
      tpu.enqueue_dma source(%arg25 : memref<1040xf32, #tpu.memory_space<vmem>>) target(%dma_start3A_366 : memref<1040xf32, #tpu.memory_space<hbm>>) target_semaphore(%run_scoped3A : memref<!tpu.dma_semaphore, #tpu.memory_space<semaphore_mem>>)
      %dma_wait3A_367 = tpu.memref_slice %arg6[%add3A_364] : memref<33280xf32, #tpu.memory_space<hbm>> -> memref<1040xf32, #tpu.memory_space<hbm>>
      %dma_wait3A_368 = tpu.memref_slice %arg6[%add3A_364] : memref<33280xf32, #tpu.memory_space<hbm>> -> memref<1040xf32, #tpu.memory_space<hbm>>
      tpu.wait_dma2 semaphore(%run_scoped3A : memref<!tpu.dma_semaphore, #tpu.memory_space<semaphore_mem>>) src(%arg25 : memref<1040xf32, #tpu.memory_space<vmem>>) dst(%dma_wait3A_368 : memref<1040xf32, #tpu.memory_space<hbm>>)
      tpu.yield
    }) : () -> ()
    return
  }
}

</mosaic_0001>

<sc_bundles>
// kernel: _voxel_hist.3.cloned.1.call-start
scs
__scs_entry_jumppad:
0x0: {  	(pc) =	sbr.rel $0x88, $3  }
0x1: {  	(tag) =	ssettag $0x0;
	lr =	simm.s32 $0x1  }
0x2: {  	[smem:$0x3F9D] =	sst lr;
	_ =	strace $0xD0000000  }
0x3: {  	_ = 	snop  }
0x4: {  	_ = 	snop  }
0x5: {  	_ = 	snop  }
0x6: {  	_ = 	snop  }
0x7: {  	_ = 	snop  }
__scs_overlays_trampoline_lowered:
0x8: {  	[smem:$0x3FAC] =	sst s0  }
0x9: {  	[smem:$0x3FAD] =	sst s1  }
0xa: {  	[smem:$0x3FAE] =	sst s2  }
0xb: {  	[smem:$0x3FAF] =	sst s3  }
0xc: {  	[smem:$0x3FB0] =	sst s4  }
0xd: {  	[smem:$0x3FB1] =	sst s5  }
0xe: {  	[smem:$0x3FB2] =	sst s6  }
0xf: {  	[smem:$0x3FB3] =	sst s7  }
0x10: {  	[smem:$0x3FB4] =	sst s8  }
0x11: {  	[smem:$0x3FB5] =	sst s9;
	s0 =	simm.s32 @!p0 $0x0  }
0x12: {  	s1 =	sld [smem:$0x3F9B];
	s0 =	simm.s32 @p0 $0x1  }
0x13: {  	[smem:$0x3FB6] =	sst s0;
	s0 =	simm.s32 @!p1 $0x0  }
0x14: {  	s2 =	sld [smem:$0x3F9A];
	s0 =	simm.s32 @p1 $0x1  }
0x15: {  	[smem:$0x3FB7] =	sst s0;
	s0 =	simm.s32 @!p2 $0x0  }
0x16: {  	s3 =	sld [smem:$0x3FDB];
	s0 =	simm.s32 @p2 $0x1  }
0x17: {  	s4 =	simm.s32 $0x1BF5;
	[smem:$0x3FB9] =	sst s0  }
0x18: {  	s0 =	sld [smem:$0x3F9C];
	_ =	swait.ge [sflag:s4], $0x0  }
0x19: {  	s7 =	sld [smem:$0x3F9D]  }
0x1a: {  	s8 =	sadd.s32 $0xFFFFE003, lr  }
0x1b: {  	s9 =	sadd.s32 $0xFFFFFEF7, lr;
	s5 =	simm.s32 $0xFFFFFFFF;
	p2 =	slt.u32 s8, $0xFFFFF086  }
0x1c: {  	p1 =	slt.u32 s9, $0xF7A;
	s5 =	simm.s32 @!p2 $0x0  }
0x1d: {  	s5 =	simm.s32 @p1 $0x1;
	p0 =	seq.s32 s7, s2  }
0x1e: {  	s7 =	smul.u32 @!p0 $0xF7A, s2;
	p2 =	seq.s32 @!p0 s5, $0x0  }
0x1f: {  	s9 =	smul.u32 $0xF7A, s1;
	s8 =	simm.s32 @!p0 $0x1BF5;
	p2 =	por !p2, p0  }
0x20: {  	[sflag:s8] =	ssyncset.s32 @!p0 $0xFFFFF086;
	s6 =	sadd.s32 @!p0 s3, s7;
	s7 =	simm.s32 @!p0 $0x108  }
0x21: {  	s3 =	sadd.s32 s3, s9;
	s6 =	sadd.s32 @!p0 $0x88, s6;
	s7 =	simm.s32 @p2 $0x1082  }
0x22: {  	[simem:s7], [sflag:s8] =	dma.local @!p0 [hbm:s6], $0xF7A  }
0x23: {  	s9 =	sor.u32 $0xD0000000, s2;
	s6 =	simm.s32 $0x108;
	_ =	swait.ge @!p0 [sflag:s8], $0x0  }
0x24: {  	s3 =	sadd.s32 $0x88, s3;
	s6 =	simm.s32 @!p1 $0x1082;
	[sflag:s4] =	ssyncset.s32 $0xFFFFF086  }
0x25: {  	[simem:s6], [sflag:s4] =	dma.local [hbm:s3], $0xF7A  }
0x26: {  	[smem:$0x3F9D] =	sst s1;
	(tag) =	ssettag s2;
	_ =	strace s9  }
0x27: {  	s1 =	sld [smem:$0x3FAD]  }
0x28: {  	s2 =	sld [smem:$0x3FAE]  }
0x29: {  	s4 =	sld [smem:$0x3FB0]  }
0x2a: {  	p0 =	seq.s32 s5, $0x0;
	s5 =	sld [smem:$0x3FB1]  }
0x2b: {  	s6 =	sld [smem:$0x3FB2]  }
0x2c: {  	s7 =	sld [smem:$0x3FB3]  }
0x2d: {  	s3 =	simm.s32 $0x108;
	s8 =	sld [smem:$0x3FB4]  }
0x2e: {  	s3 =	simm.s32 @!p0 $0x1082;
	s9 =	sld [smem:$0x3FB5]  }
0x2f: {  	lr =	sadd.s32 s0, s3;
	s0 =	sld [smem:$0x3FAC]  }
0x30: {  	s3 =	sld [smem:$0x3FAF]  }
0x31: {  	[smem:$0x3FB8] =	sst s10  }
0x32: {  	s10 =	sld [smem:$0x3FB6];
	_ =	sdelay $0x3  }
0x33: {  	p0 =	seq.s32 s10, $0x1;
	s10 =	sld [smem:$0x3FB8];
	_ =	sdelay $0x3  }
0x34: {  	[smem:$0x3FB8] =	sst s10  }
0x35: {  	s10 =	sld [smem:$0x3FB7];
	_ =	sdelay $0x3  }
0x36: {  	p1 =	seq.s32 s10, $0x1;
	s10 =	sld [smem:$0x3FB8];
	_ =	sdelay $0x3  }
0x37: {  	[smem:$0x3FB8] =	sst s10  }
0x38: {  	s10 =	sld [smem:$0x3FB9]  }
0x39: {  	_ = 	snop;
	(pc) =	sbr.ind lr, $3  }
0x3a: {  	_ = 	snop  }
0x3b: {  	_ = 	snop  }
0x3c: {  	p2 =	seq.s32 s10, $0x1;
	s10 =	sld [smem:$0x3FB8]  }
0x3d: {  	_ =	shalt  }
0x3e: {  	_ =	shalt  }
0x3f: {  	_ =	shalt  }
0x40: {  	_ =	shalt  }
0x41: {  	_ =	shalt  }
0x42: {  	_ =	shalt  }
0x43: {  	_ =	shalt  }
0x44: {  	_ =	shalt  }
0x45: {  	_ =	shalt  }
0x46: {  	_ =	shalt  }
0x47: {  	_ =	shalt  }
0x48: {  	_ =	shalt  }
0x49: {  	_ =	shalt  }
0x4a: {  	_ =	shalt  }
0x4b: {  	_ =	shalt  }
0x4c: {  	_ =	shalt  }
0x4d: {  	_ =	shalt  }
0x4e: {  	_ =	shalt  }
0x4f: {  	_ =	shalt  }
0x50: {  	_ =	shalt  }
0x51: {  	_ =	shalt  }
0x52: {  	_ =	shalt  }
0x53: {  	_ =	shalt  }
0x54: {  	_ =	shalt  }
0x55: {  	_ =	shalt  }
0x56: {  	_ =	shalt  }
0x57: {  	_ =	shalt  }
0x58: {  	_ =	shalt  }
0x59: {  	_ =	shalt  }
0x5a: {  	_ =	shalt  }
0x5b: {  	_ =	shalt  }
0x5c: {  	_ =	shalt  }
0x5d: {  	_ =	shalt  }
0x5e: {  	_ =	shalt  }
0x5f: {  	_ =	shalt  }
0x60: {  	_ =	shalt  }
0x61: {  	_ =	shalt  }
0x62: {  	_ =	shalt  }
0x63: {  	_ =	shalt  }
0x64: {  	_ =	shalt  }
0x65: {  	_ =	shalt  }
0x66: {  	_ =	shalt  }
0x67: {  	_ =	shalt  }
0x68: {  	_ =	shalt  }
0x69: {  	_ =	shalt  }
0x6a: {  	_ =	shalt  }
0x6b: {  	_ =	shalt  }
0x6c: {  	_ =	shalt  }
0x6d: {  	_ =	shalt  }
0x6e: {  	_ =	shalt  }
0x6f: {  	_ =	shalt  }
0x70: {  	_ =	shalt  }
0x71: {  	_ =	shalt  }
0x72: {  	_ =	shalt  }
0x73: {  	_ =	shalt  }
0x74: {  	_ =	shalt  }
0x75: {  	_ =	shalt  }
0x76: {  	_ =	shalt  }
0x77: {  	_ =	shalt  }
0x78: {  	_ =	shalt  }
0x79: {  	_ =	shalt  }
0x7a: {  	_ =	shalt  }
0x7b: {  	_ =	shalt  }
0x7c: {  	_ =	shalt  }
0x7d: {  	_ =	shalt  }
0x7e: {  	_ =	shalt  }
0x7f: {  	_ =	shalt  }
0x80: {  	_ =	shalt  }
0x81: {  	_ =	shalt  }
0x82: {  	_ =	shalt  }
0x83: {  	_ =	shalt  }
0x84: {  	_ =	shalt  }
0x85: {  	_ =	shalt  }
0x86: {  	_ =	shalt  }
0x87: {  	_ =	shalt  }
.Lfunc_end0:
.L_simem_size_0:
called_computation_lowered:
.L_overlay_start_0:
0x88: {  	s2 =	sld [smem:$0x3FD9]  }
0x89: {  	s3 =	sld [smem:$0x3FFE];
	_ =	sdelay $0x1  }
0x8a: {  	s1 =	srdreg.scid  }
0x8b: {  	s0 =	sand.u32 $0x1, s1  }
0x8c: {  	s17 =	sshll.u32 s0, $0xA;
	s2 =	sadd.s32 s3, s2  }
0x8d: {  	s2 =	sadd.s32 s2, s17  }
0x8e: {  	[smem:$0x3FC4] =	sst s2  }
0x8f: {  	_ = 	snop  }
0x90: {  	s2 =	sld [smem:$0x3FC9]  }
0x91: {  	s18 =	sld [smem:$0x3FC8]  }
0x92: {  	s4 =	sld [smem:$0x3FC7]  }
0x93: {  	s5 =	sld [smem:$0x3FC6]  }
0x94: {  	s6 =	sld [smem:$0x3FD0];
	(tm) =	ssettm $0x1  }
0x95: {  	s7 =	sld [smem:$0x3FFB];
	_ =	sdelay $0x3  }
0x96: {  	_ =	strace s7  }
0x97: {  	s7 =	sld [smem:$0x3FFC];
	_ =	sdelay $0x3  }
0x98: {  	_ =	strace s7  }
0x99: {  	s7 =	sld [smem:$0x3FFD];
	_ =	sdelay $0x3  }
0x9a: {  	_ =	strace s7  }
0x9b: {  	_ =	strace $0x8FFFFFFF  }
0x9c: {  	s19 =	sld [smem:$0x3FDB];
	_ =	sdelay $0x1  }
0x9d: {  	s8 =	simm.s32 $_scs_section_size  }
0x9e: {  	s9 =	simm.s32 $_size__tile_overlayer_lowered;
	s10 =	simm.s32 $_tile_overlayer_lowered  }
0x9f: {  	s22 =	simm.s32 $0x1BFF;
	s21 =	sshll.u32 s10, $0x1;
	s7 =	sadd.s32 s8, s19  }
0xa0: {  	s11 =	simm.s32 $0x0;
	s20 =	sshll.u32 s9, $0x1;
	s9 =	sadd.s32 s21, s7  }
0xa1: {  	[timem:s11], [sflag:s22] =	dma.local [hbm:s9], s20  }
0xa2: {  	_ =	swait.ge [sflag:s22], s20  }
0xa3: {  	s8 =	ssub.s32 $0x0, s20;
	[sflag:s22] =	ssyncset.done $0x0  }
0xa4: {  	[sflag:s22] =	ssyncadd.s32 s8;
	_ =	sdelay $0x1  }
0xa5: {  	s23 =	simm.s32 $0x1B8B  }
0xa6: {  	_ =	swait.ge [sflag:s23], $0x1  }
0xa7: {  	[sflag:s23] =	ssyncset.done $0x0  }
0xa8: {  	s25 =	simm.s32 $0x1B8E;
	s24 =	sld [smem:$0x3FFE];
	[sflag:s23] =	ssyncadd.s32 $0xFFFFFFFF  }
0xa9: {  	s26 =	simm.s32 $execute0_lowered;
	[smem:$0x3FD2] =	sst s25  }
0xaa: {  	s9 =	sshll.u32 s26, $0x1;
	_ =	strace $0x80000046;
	[dreg:$0x1] =	wrdreg $0xFFFFFFFF  }
0xab: {  	s28 =	simm.s32 $_size_execute0_lowered;
	s7 =	sadd.s32 s7, s9;
	[dreg:$0x0] =	wrdreg $0x0  }
0xac: {  	s9 =	sshll.u32 s28, $0x1;
	[dreg:$0x2] =	wrdreg s7  }
0xad: {  	[dreg:$0x3] =	wrdreg s9  }
0xae: {  	[dreg:$0x4] =	wrdreg $0xC0  }
0xaf: {  	_ =	task [dreg:s11], $0x5FFFF  }
0xb0: {  	[dreg:$0x1] =	wrdreg $0xFFFFFFFF  }
0xb1: {  	[dreg:$0x0] =	wrdreg $0x60  }
0xb2: {  	[dreg:$0x2] =	wrdreg s2  }
0xb3: {  	[dreg:$0x3] =	wrdreg s18  }
0xb4: {  	[dreg:$0x4] =	wrdreg s4  }
0xb5: {  	[dreg:$0x5] =	wrdreg s5  }
0xb6: {  	[dreg:$0x6] =	wrdreg s6  }
0xb7: {  	[dreg:$0x7] =	wrdreg s24  }
0xb8: {  	[dreg:$0x8] =	wrdreg $0x9  }
0xb9: {  	_ =	task.clear_ibuf [dreg:s11], $0x9FFFF;
	_ =	strace $0x90000046  }
0xba: {  	s29 =	simm.s32 $0x9;
	_ =	strace $0x80000048  }
0xbb: {  	_ =	swait.ge [sflag:s29], $0x1  }
0xbc: {  	[sflag:s29] =	ssyncadd.s32 $0xFFFFFFFF  }
0xbd: {  	_ =	strace $0x90000048  }
0xbe: {  	_ =	sfence  }
0xbf: {  	s30 =	sld [smem:$0x0];
	_ =	sdelay $0x2  }
0xc0: {  	s31 =	sshll.u32 s1, $0xD;
	s1 =	sshrl.u32 s1, $0x2  }
0xc1: {  	s3 =	sand.u32 $0x4000, s31;
	s1 =	sadd.s32 s1, s30  }
0xc2: {  	s0 =	sor.u32 s3, s0;
	s1 =	sshll.u32 s1, $0x11  }
0xc3: {  	s0 =	sor.u32 s1, s0  }
0xc4: {  	s0 =	sadd.s32 $0x8F2B, s0  }
0xc5: {  	[sflag:s0] =	ssyncadd.remote.s32 $0x1  }
0xc6: {  	_ =	sfence.sel $0xFFFF  }
0xc7: {  	[dreg:$0x0] =	wrdreg $0xFFFFFFFF;
	(pc) =	sbr.abs _section_cstart, $3  }
0xc8: {  	[dreg:$0x1] =	wrdreg $0xFFFFFFFF  }
0xc9: {  	_ =	task.clear_ibuf [dreg:s11], $0x2FFFF;
	_ =	strace $0x9FFFFFFF  }
0xca: {  	(tm) =	ssettm $0x7FFFFFFF  }
0xcb: {  	_ =	shalt  }
tec
execute0_lowered:
.L_overlay_start_1:
0x0: {  	(tag) =	ssettag $0x1  }
0x1: {  	s0 =	rddreg [dreg:$0x0]  }
0x2: {  	s2 =	rddreg [dreg:$0x1]  }
0x3: {  	s3 =	rddreg [dreg:$0x2];
	s6 =	srdreg.scid  }
0x4: {  	s4 =	rddreg [dreg:$0x3];
	s14 =	stileid.u32;
	s8 =	sand.u32 $0x1, s6  }
0x5: {  	s1 =	rddreg [dreg:$0x4];
	s7 =	sshll.u32 s14, $0x13;
	s9 =	sshll.u32 s8, $0x12  }
0x6: {  	s5 =	rddreg [dreg:$0x5];
	s6 =	simm.s32 $0x0;
	s7 =	sor.u32 s9, s7  }
0x7: {  	s5 =	sadd.s32 $0x400, s5;
	s20 =	smul.u32 $0x410, s14;
	s11 =	sshrl.u32 s7, $0x3  }
0x8: {  	[smem:$0x7FF] =	sst s6;
	s10 =	ssub.s32 $0x2, s8;
	s12 =	sadd.s32 s0, s11  }
0x9: {  	_ =	strace $0x80000047;
	s13 =	sadd.s32 s2, s11;
	[dreg:$0x7] =	wrdreg s12  }
0xa: {  	s21 =	sshll.u32 s8, $0x4;
	s15 =	sadd.s32 s3, s11;
	[dreg:$0x8] =	wrdreg s13  }
0xb: {  	s16 =	sor.u32 $0x200, s11;
	[dreg:$0x9] =	wrdreg s15;
	s12 =	sadd.s32 s4, s11  }
0xc: {  	s26 =	sshrl.u32 s10, $0x1;
	s17 =	sadd.s32 s0, s16;
	[dreg:$0xa] =	wrdreg s12  }
0xd: {  	s9 =	ssub.s32 s10, s26;
	s18 =	sadd.s32 s2, s16;
	[dreg:$0xb] =	wrdreg s17  }
0xe: {  	s19 =	sadd.s32 s3, s16;
	s10 =	sadd.s32 s4, s16;
	[dreg:$0xc] =	wrdreg s18  }
0xf: {  	s11 =	sor.u32 $0x400, s11;
	s13 =	smul.u32 $0x41000, s8;
	[dreg:$0xd] =	wrdreg s19  }
0x10: {  	s8 =	smul.u32 $0x4100, s8;
	[dreg:$0xe] =	wrdreg s10;
	s15 =	sadd.s32 s0, s11  }
0x11: {  	s12 =	sor.u32 s14, s21;
	s22 =	sadd.s32 s2, s11;
	[dreg:$0xf] =	wrdreg s15  }
0x12: {  	s23 =	sadd.s32 s3, s11;
	[dreg:$0x10] =	wrdreg s22;
	s12 =	smul.u32 $0x820, s12  }
0x13: {  	s24 =	sadd.s32 s4, s11;
	s8 =	sadd.s32 s20, s8;
	[dreg:$0x11] =	wrdreg s23  }
0x14: {  	[dreg:$0x12] =	wrdreg s24;
	s8 =	sshrl.u32 s8, $0x3;
	s25 =	sadd.s32 s5, s12  }
0x15: {  	s13 =	sadd.s32 s20, s13;
	s1 =	sadd.s32 s1, s8;
	[dreg:$0x13] =	wrdreg s25  }
0x16: {  	s26 =	sshrl.u32 s13, $0x3;
	s8 =	smax.u32 s9, $0x1;
	[dreg:$0x15] =	wrdreg s1  }
0x17: {  	s5 =	sadd.s32 s5, s26;
	[dreg:$0x16] =	wrdreg s8  }
0x18: {  	s9 =	sadd.s32 $0x820, s5;
	[dreg:$0x14] =	wrdreg s5  }
0x19: {  	s10 =	sadd.s32 $0x1040, s5;
	[dreg:$0x17] =	wrdreg s9  }
0x1a: {  	s11 =	sadd.s32 $0x1860, s5;
	[dreg:$0x18] =	wrdreg s10  }
0x1b: {  	s12 =	sadd.s32 $0x2080, s5;
	[dreg:$0x19] =	wrdreg s11  }
0x1c: {  	s13 =	sadd.s32 $0x28A0, s5;
	[dreg:$0x1a] =	wrdreg s12  }
0x1d: {  	s28 =	simm.s32 $0xC000;
	s14 =	sadd.s32 $0x30C0, s5;
	[dreg:$0x1b] =	wrdreg s13  }
0x1e: {  	s29 =	simm.s32 $0xD000;
	s15 =	sadd.s32 $0x38E0, s5;
	[dreg:$0x1c] =	wrdreg s14  }
0x1f: {  	s30 =	simm.s32 $0xE000;
	s16 =	sadd.s32 $0x4100, s5;
	[dreg:$0x1d] =	wrdreg s15  }
0x20: {  	s31 =	simm.s32 $0xF000;
	s17 =	sadd.s32 $0x4920, s5;
	[dreg:$0x1e] =	wrdreg s16  }
0x21: {  	s22 =	sor.u32 $0x4000, s7;
	s18 =	sadd.s32 $0x5140, s5;
	[dreg:$0x1f] =	wrdreg s17  }
0x22: {  	s24 =	sor.u32 $0x5000, s7;
	s19 =	sadd.s32 $0x5960, s5;
	[smem:$0x7F8] =	sst s18  }
0x23: {  	s26 =	sor.u32 $0x6000, s7;
	s20 =	sadd.s32 $0x6180, s5;
	[smem:$0x7F9] =	sst s19  }
0x24: {  	s21 =	sadd.s32 $0x69A0, s5;
	s23 =	sadd.s32 $0x71C0, s5;
	[smem:$0x7FA] =	sst s20  }
0x25: {  	s25 =	sadd.s32 $0x79E0, s5;
	s1 =	simm.s32 $0x2;
	[smem:$0x7FB] =	sst s21  }
0x26: {  	s5 =	simm.s32 $0x3;
	s8 =	simm.s32 $0x4;
	[smem:$0x7FC] =	sst s23  }
0x27: {  	[smem:$0x7FD] =	sst s25;
	s17 =	simm.s32 $0x8000;
	s18 =	simm.s32 $0x9000  }
0x28: {  	s19 =	simm.s32 $0xA000;
	s20 =	simm.s32 $0xB000;
	s23 =	simm.s32 $0x1  }
0x29: {  	v0 =	vimm.f32 $0.0e+00;
	v1 =	vimm.f32 $1.000000000e+00;
	s25 =	simm.s32 $0x10000;
	s10 =	simm.s32 $0x5;
	s11 =	simm.s32 $0x0  }
.LBB2_1:
0x2a: {  	s9 =	simm.s32 $0x40;
	s12 =	simm.s32 $0x0  }
.LBB2_2:
0x2b: {  	p0 =	sne.s32 s9, $0x103C0;
	[tilespmem:s12+$0x10000] =	vst v0;
	s12 =	smov.u32 s9;
	s9 =	sadd.s32 $0x40, s9  }
.Ltmp0:
0x2c: {  	(pc) =	sbr.rel @p0 .LBB2_2-.Ltmp0, $2  }
0x2d: {  	_ =	sdelay $0x2  }
0x2e: {  	s12 =	sshra.s32 s12, $0x2  }
0x2f: {  	[tilespmem:s12+$0x10000] =	vst v0;
	s12 =	simm.s32 $0x0;
	s9 =	rddreg [dreg:$0x7]  }
0x30: {  	[tilespmem:s12], [sflag:$0x1] =	stream.linear.gather [hbm4b:s9+s12], $0x1000, $0x38;
	[tilespmem:$0x18680] =	vst v63  }
0x31: {  	s21 =	rddreg [dreg:$0x8];
	s13 =	simm.s32 $0x1000  }
0x32: {  	[tilespmem:s13], [sflag:$0x1] =	stream.linear.gather [hbm4b:s21+s12], $0x1000, $0x38;
	[tilespmem:$0x18680] =	vst v63  }
0x33: {  	s14 =	rddreg [dreg:$0x9];
	s15 =	simm.s32 $0x2000  }
0x34: {  	[tilespmem:s15], [sflag:$0x1] =	stream.linear.gather [hbm4b:s14+s12], $0x1000, $0x38;
	[tilespmem:$0x18680] =	vst v63  }
0x35: {  	s16 =	rddreg [dreg:$0xa];
	s21 =	simm.s32 $0x3000  }
0x36: {  	[tilespmem:s21], [sflag:$0x1] =	stream.linear.gather [hbm4b:s16+s12], $0x1000, $0x38;
	[tilespmem:$0x18680] =	vst v63  }
0x37: {  	s14 =	rddreg [dreg:$0xb];
	s15 =	simm.s32 $0x4000  }
0x38: {  	[tilespmem:s15], [sflag:$0x2] =	stream.linear.gather [hbm4b:s14+s12], $0x1000, $0x38;
	[tilespmem:$0x18680] =	vst v63  }
0x39: {  	s16 =	rddreg [dreg:$0xc];
	s21 =	simm.s32 $0x5000  }
0x3a: {  	[tilespmem:s21], [sflag:$0x2] =	stream.linear.gather [hbm4b:s16+s12], $0x1000, $0x38;
	[tilespmem:$0x18680] =	vst v63  }
0x3b: {  	s14 =	rddreg [dreg:$0xd];
	s15 =	simm.s32 $0x6000  }
0x3c: {  	[tilespmem:s15], [sflag:$0x2] =	stream.linear.gather [hbm4b:s14+s12], $0x1000, $0x38;
	[tilespmem:$0x18680] =	vst v63  }
0x3d: {  	s16 =	rddreg [dreg:$0xe];
	s21 =	simm.s32 $0x7000  }
0x3e: {  	[tilespmem:s21], [sflag:$0x2] =	stream.linear.gather [hbm4b:s16+s12], $0x1000, $0x38;
	[tilespmem:$0x18680] =	vst v63  }
0x3f: {  	s14 =	rddreg [dreg:$0xf]  }
0x40: {  	[tilespmem:s17], [sflag:$0x3] =	stream.linear.gather [hbm4b:s14+s12], $0x1000, $0x38;
	[tilespmem:$0x18680] =	vst v63  }
0x41: {  	s15 =	rddreg [dreg:$0x10]  }
0x42: {  	[tilespmem:s18], [sflag:$0x3] =	stream.linear.gather [hbm4b:s15+s12], $0x1000, $0x38;
	[tilespmem:$0x18680] =	vst v63  }
0x43: {  	s16 =	rddreg [dreg:$0x11]  }
0x44: {  	[tilespmem:s19], [sflag:$0x3] =	stream.linear.gather [hbm4b:s16+s12], $0x1000, $0x38;
	[tilespmem:$0x18680] =	vst v63  }
0x45: {  	s21 =	rddreg [dreg:$0x12]  }
0x46: {  	[tilespmem:s20], [sflag:$0x3] =	stream.linear.gather [hbm4b:s21+s12], $0x1000, $0x38;
	[tilespmem:$0x18680] =	vst v63  }
.LBB2_4:
0x47: {  	_ =	swait.ge [sflag:s23], $0x1000  }
0x48: {  	[sflag:s23] =	ssyncset.done $0x0  }
0x49: {  	[sflag:s23] =	ssyncadd.s32 $0xFFFFF000  }
0x4a: {  	_ =	swait.ge [sflag:s23], $0x1000  }
0x4b: {  	[sflag:s23] =	ssyncset.done $0x0  }
0x4c: {  	[sflag:s23] =	ssyncadd.s32 $0xFFFFF000  }
0x4d: {  	_ =	swait.ge [sflag:s23], $0x1000  }
0x4e: {  	[sflag:s23] =	ssyncset.done $0x0  }
0x4f: {  	[sflag:s23] =	ssyncadd.s32 $0xFFFFF000  }
0x50: {  	_ =	swait.ge [sflag:s23], $0x1000  }
0x51: {  	[sflag:s23] =	ssyncset.done $0x0  }
0x52: {  	s9 =	simm.s32 $0x40;
	[sflag:s23] =	ssyncadd.s32 $0xFFFFF000  }
0x53: {  	s13 =	simm.s32 $0x1040;
	v2 =	vld [tilespmem:s9+$0x10]  }
0x54: {  	v3 =	vld [tilespmem:s13+$0xFFFFFFF0]  }
0x55: {  	v4 =	vld [tilespmem:s13+$0x10]  }
0x56: {  	s15 =	simm.s32 $0x3040;
	v5 =	vld [tilespmem:s13+$0x30]  }
0x57: {  	v6 =	vld [tilespmem:s15+$0x10]  }
0x58: {  	s14 =	simm.s32 $0x2040;
	v7 =	vld [tilespmem:s15+$0x30]  }
0x59: {  	v8 =	vld [tilespmem:s14+$0x30]  }
0x5a: {  	v9 =	vld [tilespmem:s9+$0x30]  }
0x5b: {  	v10 =	vld [tilespmem:s14+$0x10]  }
0x5c: {  	v11 =	vld [tilespmem:s14+$0x20]  }
0x5d: {  	v13 =	vld [tilespmem:s14+$0x0]  }
0x5e: {  	v16 =	vld [tilespmem:s14+$0xFFFFFFD0]  }
0x5f: {  	v5 =	vshra.s32 v5, $0x3  }
0x60: {  	v12 =	vshra.s32 v2, $0x3;
	v6 =	vshll.u32 v6, $0x3;
	v4 =	vshra.s32 v4, $0x3  }
0x61: {  	v18 =	vld [tilespmem:s9+$0xFFFFFFE0];
	v7 =	vshll.u32 v7, $0x3;
	v8 =	vmul.f32 $8.000000000e+00, v8;
	v15 =	vshra.s32 v3, $0x3  }
0x62: {  	v3 =	vshra.s32 v9, $0x3;
	v10 =	vmul.f32 $8.000000000e+00, v10;
	v11 =	vmul.f32 $8.000000000e+00, v11  }
0x63: {  	v2 =	vld [tilespmem:s13+$0xFFFFFFE0];
	v13 =	vmul.f32 $8.000000000e+00, v13;
	v16 =	vmul.f32 $8.000000000e+00, v16;
	vm0 =	vlt.s32 v5, $0x19  }
0x64: {  	v9 =	vld [tilespmem:s14+$0xFFFFFFE0];
	v5 =	vnsel vm0, $0x19, v5;
	v8 =	vtrunc.f32 v8;
	v10 =	vtrunc.f32 v10  }
0x65: {  	vm0 =	vlt.s32 v4, $0x19;
	v11 =	vtrunc.f32 v11;
	v21 =	vtrunc.f32 v13  }
0x66: {  	v14 =	vld [tilespmem:s14+$0xFFFFFFF0];
	v13 =	vshra.s32 v18, $0x3;
	v5 =	vmul.u32 $0x28, v5;
	v4 =	vnsel vm0, $0x19, v4  }
0x67: {  	v19 =	vld [tilespmem:s15+$0xFFFFFFE0];
	vm0 =	vlt.s32 v15, $0x19;
	v8 =	vcvt.f32.s32 v8;
	v10 =	vcvt.f32.s32 v10  }
0x68: {  	v4 =	vmul.u32 $0x28, v4;
	v3 =	vadd.s32 v3, v5;
	v5 =	vnsel vm0, $0x19, v15;
	v15 =	vld [tilespmem:s14+$0xFFFFFFC0]  }
0x69: {  	v17 =	vshra.s32 v2, $0x3;
	v9 =	vmul.f32 $8.000000000e+00, v9;
	v7 =	vadd.s32 v8, v7;
	v8 =	vld [tilespmem:s15+$0xFFFFFFF0]  }
0x6a: {  	v10 =	vadd.s32 v10, v6;
	v2 =	vmul.u32 $0x28, v5;
	v5 =	vld [tilespmem:s13+$0xFFFFFFD0];
	vm0 =	vlt.s32 v17, $0x19  }
0x6b: {  	v12 =	vadd.s32 v12, v4;
	v6 =	vmul.u32 $0x410, v7;
	v4 =	vnsel vm0, $0x19, v17;
	v17 =	vld [tilespmem:s13+$0x20]  }
0x6c: {  	v10 =	vmul.u32 $0x410, v10;
	v7 =	vtrunc.f32 v9;
	v9 =	vmul.f32 $8.000000000e+00, v14;
	v14 =	vld [tilespmem:s9+$0xFFFFFFD0]  }
0x6d: {  	v22 =	vld [tilespmem:s15+$0x20];
	v11 =	vcvt.f32.s32 v11;
	v21 =	vcvt.f32.s32 v21;
	v20 =	vmul.u32 $0x28, v4  }
0x6e: {  	v23 =	vld [tilespmem:s13+$0xFFFFFFC0];
	v10 =	vadd.s32 v10, v12;
	v12 =	vcvt.f32.s32 v7;
	v4 =	vtrunc.f32 v9  }
0x6f: {  	v24 =	vld [tilespmem:s15+$0xFFFFFFC0];
	v18 =	vcvt.f32.s32 v4;
	v7 =	vadd.s32 v13, v20;
	v5 =	vshra.s32 v5, $0x3  }
0x70: {  	v4 =	vld [tilespmem:s9+$0x0];
	v8 =	vshll.u32 v8, $0x3;
	v15 =	vmul.f32 $8.000000000e+00, v15;
	vm0 =	vlt.s32 v5, $0x19  }
0x71: {  	v9 =	vshra.s32 v17, $0x3;
	v17 =	vld [tilespmem:s13+$0x0];
	v13 =	vshra.s32 v14, $0x3;
	v5 =	vnsel vm0, $0x19, v5  }
0x72: {  	v14 =	vshll.u32 v19, $0x3;
	v8 =	vadd.s32 v18, v8;
	v18 =	vld [tilespmem:s15+$0x0];
	v5 =	vmul.u32 $0x28, v5  }
0x73: {  	v20 =	vtrunc.f32 v16;
	v19 =	vld [tilespmem:s9+$0xFFFFFFF0];
	v12 =	vadd.s32 v12, v14;
	vm1 =	vlt.s32 v9, $0x19  }
0x74: {  	[tilespmem:v10+s25+$0x0] =	vst.idx.add.f32.msk $0xffff, v1;
	v14 =	vshll.u32 v24, $0x3;
	v5 =	vadd.s32 v13, v5;
	v13 =	vshll.u32 v22, $0x3  }
0x75: {  	v16 =	vmul.u32 $0x410, v12;
	v10 =	vadd.s32 v11, v13;
	v13 =	vtrunc.f32 v15;
	v15 =	vld [tilespmem:s9+$0x20]  }
0x76: {  	v22 =	vshra.s32 v23, $0x3;
	v11 =	vmul.u32 $0x410, v8;
	v12 =	vshra.s32 v17, $0x3;
	v17 =	vld [tilespmem:s9+$0xFFFFFFC0]  }
0x77: {  	s16 =	simm.s32 $0xC0;
	s21 =	simm.s32 $0x30C0;
	v10 =	vmul.u32 $0x410, v10;
	v8 =	vcvt.f32.s32 v13;
	v13 =	vld [tilespmem:s15+$0xFFFFFFD0];
	s15 =	simm.s32 $0x0;
	vm0 =	vlt.s32 v12, $0x19  }
.LBB2_5:
0x78: {  	v23 =	vld [tilespmem:s16+$0x10];
	s15 =	sadd.s32 $0x8, s15;
	v18 =	vshll.u32 v18, $0x3;
	v9 =	vnsel vm1, $0x19, v9;
	v3 =	vadd.s32 v6, v3;
	s13 =	sadd.s32 $0x80, s13;
	s14 =	sadd.s32 $0x80, s14  }
0x79: {  	vm1 =	vlt.s32 v22, $0x19;
	v6 =	vld [tilespmem:s14+$0x10];
	p0 =	slt.u32 s15, $0xF8;
	v19 =	vshra.s32 v19, $0x3;
	v9 =	vmul.u32 $0x28, v9  }
0x7a: {  	v20 =	vcvt.f32.s32 v20;
	v22 =	vnsel vm1, $0x19, v22;
	v18 =	vadd.s32 v21, v18;
	v24 =	vld [tilespmem:s14+$0x20]  }
0x7b: {  	v22 =	vmul.u32 $0x28, v22;
	v2 =	vadd.s32 v19, v2;
	v15 =	vshra.s32 v15, $0x3;
	v21 =	vld [tilespmem:s13+$0xFFFFFFF0]  }
0x7c: {  	v7 =	vadd.s32 v16, v7;
	v2 =	vadd.s32 v11, v2;
	v9 =	vadd.s32 v15, v9;
	v19 =	vld [tilespmem:s13+$0x10]  }
0x7d: {  	v13 =	vshll.u32 v13, $0x3;
	v15 =	vshra.s32 v17, $0x3;
	v9 =	vadd.s32 v10, v9;
	v11 =	vld [tilespmem:s14+$0x30]  }
0x7e: {  	v8 =	vadd.s32 v8, v14;
	v12 =	vnsel vm0, $0x19, v12;
	v14 =	vadd.s32 v15, v22;
	v10 =	vld [tilespmem:s21+$0x10]  }
0x7f: {  	v8 =	vmul.u32 $0x410, v8;
	v12 =	vmul.u32 $0x28, v12;
	v13 =	vadd.s32 v20, v13;
	v15 =	vld [tilespmem:s13+$0x30]  }
0x80: {  	v4 =	vshra.s32 v4, $0x3;
	v17 =	vmul.u32 $0x410, v18;
	v13 =	vmul.u32 $0x410, v13;
	v16 =	vld [tilespmem:s21+$0x30]  }
0x81: {  	v4 =	vadd.s32 v4, v12;
	v8 =	vadd.s32 v8, v14;
	[tilespmem:v7+s25+$0x0] =	vst.idx.add.f32.msk $0xffff, v1  }
0x82: {  	v5 =	vadd.s32 v13, v5;
	[tilespmem:v2+s25+$0x0] =	vst.idx.add.f32.msk $0xffff, v1;
	v2 =	vadd.s32 v17, v4  }
0x83: {  	v4 =	vld [tilespmem:s16+$0x30]  }
0x84: {  	[tilespmem:v3+s25+$0x0] =	vst.idx.add.f32.msk $0xffff, v1  }
0x85: {  	[tilespmem:v9+s25+$0x0] =	vst.idx.add.f32.msk $0xffff, v1  }
0x86: {  	[tilespmem:v8+s25+$0x0] =	vst.idx.add.f32.msk $0xffff, v1  }
0x87: {  	v3 =	vshra.s32 v15, $0x3;
	[tilespmem:v2+s25+$0x0] =	vst.idx.add.f32.msk $0xffff, v1  }
0x88: {  	v7 =	vshra.s32 v23, $0x3;
	vm0 =	vlt.s32 v3, $0x19;
	v8 =	vshll.u32 v10, $0x3;
	[tilespmem:v5+s25+$0x0] =	vst.idx.add.f32.msk $0xffff, v1  }
0x89: {  	v9 =	vshll.u32 v16, $0x3;
	v3 =	vnsel vm0, $0x19, v3;
	v5 =	vshra.s32 v19, $0x3;
	v2 =	vld [tilespmem:s13+$0xFFFFFFE0]  }
0x8a: {  	v11 =	vmul.f32 $8.000000000e+00, v11;
	v3 =	vmul.u32 $0x28, v3;
	vm0 =	vlt.s32 v5, $0x19;
	v10 =	vld [tilespmem:s14+$0x0]  }
0x8b: {  	v13 =	vshra.s32 v21, $0x3;
	v4 =	vshra.s32 v4, $0x3;
	v5 =	vnsel vm0, $0x19, v5;
	v12 =	vld [tilespmem:s14+$0xFFFFFFF0]  }
0x8c: {  	v11 =	vtrunc.f32 v11;
	v3 =	vadd.s32 v4, v3;
	vm0 =	vlt.s32 v13, $0x19;
	v14 =	vld [tilespmem:s14+$0xFFFFFFE0]  }
0x8d: {  	v6 =	vmul.f32 $8.000000000e+00, v6;
	v4 =	vnsel vm0, $0x19, v13;
	v13 =	vmul.f32 $8.000000000e+00, v24;
	v15 =	vld [tilespmem:s14+$0xFFFFFFD0]  }
0x8e: {  	v16 =	vld [tilespmem:s14+$0xFFFFFFC0];
	v17 =	vshra.s32 v2, $0x3;
	v2 =	vmul.u32 $0x28, v4;
	v4 =	vmul.u32 $0x28, v5  }
0x8f: {  	v6 =	vtrunc.f32 v6;
	v11 =	vcvt.f32.s32 v11;
	v5 =	vld [tilespmem:s13+$0xFFFFFFD0];
	vm0 =	vlt.s32 v17, $0x19  }
0x90: {  	v6 =	vcvt.f32.s32 v6;
	v13 =	vtrunc.f32 v13;
	v18 =	vld [tilespmem:s16+$0xFFFFFFE0];
	v7 =	vadd.s32 v7, v4  }
0x91: {  	v9 =	vadd.s32 v11, v9;
	v4 =	vnsel vm0, $0x19, v17;
	v14 =	vmul.f32 $8.000000000e+00, v14;
	v17 =	vld [tilespmem:s13+$0x20]  }
0x92: {  	v8 =	vadd.s32 v6, v8;
	v6 =	vmul.u32 $0x410, v9;
	v10 =	vmul.f32 $8.000000000e+00, v10;
	v11 =	vld [tilespmem:s21+$0xFFFFFFF0]  }
0x93: {  	v8 =	vmul.u32 $0x410, v8;
	v12 =	vmul.f32 $8.000000000e+00, v12;
	v19 =	vld [tilespmem:s21+$0xFFFFFFE0];
	v9 =	vtrunc.f32 v14  }
0x94: {  	v20 =	vmul.u32 $0x28, v4;
	v21 =	vtrunc.f32 v10;
	v14 =	vld [tilespmem:s16+$0xFFFFFFD0];
	v5 =	vshra.s32 v5, $0x3  }
0x95: {  	v4 =	vtrunc.f32 v12;
	vm0 =	vlt.s32 v5, $0x19;
	v10 =	vshra.s32 v18, $0x3;
	v12 =	vld [tilespmem:s21+$0x20]  }
0x96: {  	v13 =	vcvt.f32.s32 v13;
	v8 =	vadd.s32 v8, v7;
	v18 =	vcvt.f32.s32 v4;
	v4 =	vld [tilespmem:s16+$0x0]  }
0x97: {  	v23 =	vcvt.f32.s32 v9;
	v5 =	vnsel vm0, $0x19, v5;
	v9 =	vshra.s32 v17, $0x3;
	v22 =	vld [tilespmem:s13+$0xFFFFFFC0]  }
0x98: {  	v7 =	vadd.s32 v10, v20;
	v5 =	vmul.u32 $0x28, v5;
	v10 =	vshll.u32 v11, $0x3;
	v17 =	vld [tilespmem:s13+$0x0]  }
0x99: {  	v10 =	vadd.s32 v18, v10;
	v24 =	vld [tilespmem:s21+$0xFFFFFFC0];
	v11 =	vshra.s32 v14, $0x3;
	v14 =	vshll.u32 v19, $0x3  }
0x9a: {  	v16 =	vmul.f32 $8.000000000e+00, v16;
	v5 =	vadd.s32 v11, v5;
	v18 =	vld [tilespmem:s21+$0x0];
	v11 =	vshll.u32 v12, $0x3  }
.Ltmp1:
0x9b: {  	v12 =	vmul.f32 $8.000000000e+00, v15;
	v14 =	vadd.s32 v23, v14;
	[tilespmem:v8+s25+$0x0] =	vst.idx.add.f32.msk $0xffff, v1;
	v8 =	vadd.s32 v13, v11;
	(pc) =	sbr.rel @p0 .LBB2_5-.Ltmp1, $4  }
0x9c: {  	v13 =	vtrunc.f32 v16;
	v11 =	vmul.u32 $0x410, v10;
	v19 =	vld [tilespmem:s16+$0xFFFFFFF0];
	v10 =	vmul.u32 $0x410, v8  }
0x9d: {  	vm1 =	vlt.s32 v9, $0x19;
	v8 =	vcvt.f32.s32 v13;
	v20 =	vtrunc.f32 v12;
	v15 =	vld [tilespmem:s16+$0x20]  }
0x9e: {  	v21 =	vcvt.f32.s32 v21;
	v16 =	vmul.u32 $0x410, v14;
	v12 =	vshra.s32 v17, $0x3;
	v13 =	vld [tilespmem:s21+$0xFFFFFFD0]  }
0x9f: {  	v22 =	vshra.s32 v22, $0x3;
	v14 =	vshll.u32 v24, $0x3;
	vm0 =	vlt.s32 v12, $0x19;
	s21 =	sadd.s32 $0x80, s21;
	v17 =	vld [tilespmem:s16+$0xFFFFFFC0];
	s16 =	sadd.s32 $0x80, s16  }
0xa0: {  	v18 =	vshll.u32 v18, $0x3  }
0xa1: {  	v9 =	vnsel vm1, $0x19, v9;
	v3 =	vadd.s32 v6, v3;
	vm1 =	vlt.s32 v22, $0x19  }
0xa2: {  	v20 =	vcvt.f32.s32 v20;
	v7 =	vadd.s32 v16, v7;
	v8 =	vadd.s32 v8, v14  }
0xa3: {  	v6 =	vshra.s32 v19, $0x3;
	v9 =	vmul.u32 $0x28, v9;
	v19 =	vnsel vm1, $0x19, v22  }
0xa4: {  	v18 =	vadd.s32 v21, v18;
	v8 =	vmul.u32 $0x410, v8;
	v2 =	vadd.s32 v6, v2  }
0xa5: {  	v19 =	vmul.u32 $0x28, v19;
	v6 =	vshra.s32 v15, $0x3;
	v2 =	vadd.s32 v11, v2  }
0xa6: {  	v6 =	vadd.s32 v6, v9;
	v11 =	vshll.u32 v13, $0x3;
	v9 =	vshra.s32 v17, $0x3  }
0xa7: {  	v6 =	vadd.s32 v10, v6;
	v10 =	vnsel vm0, $0x19, v12;
	v11 =	vadd.s32 v20, v11  }
0xa8: {  	v9 =	vadd.s32 v9, v19;
	v10 =	vmul.u32 $0x28, v10;
	v11 =	vmul.u32 $0x410, v11  }
0xa9: {  	v4 =	vshra.s32 v4, $0x3;
	v12 =	vmul.u32 $0x410, v18;
	v8 =	vadd.s32 v8, v9  }
0xaa: {  	[tilespmem:v7+s25+$0x0] =	vst.idx.add.f32.msk $0xffff, v1;
	v4 =	vadd.s32 v4, v10;
	v5 =	vadd.s32 v11, v5  }
0xab: {  	[tilespmem:v3+s25+$0x0] =	vst.idx.add.f32.msk $0xffff, v1;
	v4 =	vadd.s32 v12, v4  }
0xac: {  	s13 =	sshll.u32 s12, $0xE;
	[tilespmem:v2+s25+$0x0] =	vst.idx.add.f32.msk $0xffff, v1  }
0xad: {  	s9 =	sor.u32 s13, s7;
	[tilespmem:v6+s25+$0x0] =	vst.idx.add.f32.msk $0xffff, v1  }
0xae: {  	s9 =	sshrl.u32 s9, $0x3;
	[tilespmem:v8+s25+$0x0] =	vst.idx.add.f32.msk $0xffff, v1  }
0xaf: {  	s9 =	sor.u32 $0x600, s9;
	[tilespmem:v5+s25+$0x0] =	vst.idx.add.f32.msk $0xffff, v1  }
0xb0: {  	s14 =	sadd.s32 s0, s9;
	[tilespmem:v4+s25+$0x0] =	vst.idx.add.f32.msk $0xffff, v1  }
0xb1: {  	[tilespmem:s28], [sflag:$0x4] =	stream.linear.gather [hbm4b:s14+s6], $0x1000, $0x38;
	[tilespmem:$0x18680] =	vst v63  }
0xb2: {  	s15 =	sadd.s32 s2, s9  }
0xb3: {  	[tilespmem:s29], [sflag:$0x4] =	stream.linear.gather [hbm4b:s15+s6], $0x1000, $0x38;
	[tilespmem:$0x18680] =	vst v63  }
0xb4: {  	s16 =	sadd.s32 s3, s9  }
0xb5: {  	[tilespmem:s30], [sflag:$0x4] =	stream.linear.gather [hbm4b:s16+s6], $0x1000, $0x38;
	[tilespmem:$0x18680] =	vst v63  }
0xb6: {  	s9 =	sadd.s32 s4, s9  }
0xb7: {  	[tilespmem:s31], [sflag:$0x4] =	stream.linear.gather [hbm4b:s9+s6], $0x1000, $0x38;
	[tilespmem:$0x18680] =	vst v63  }
0xb8: {  	_ =	swait.ge [sflag:s1], $0x1000  }
0xb9: {  	[sflag:s1] =	ssyncset.done $0x0  }
0xba: {  	[sflag:s1] =	ssyncadd.s32 $0xFFFFF000  }
0xbb: {  	_ =	swait.ge [sflag:s1], $0x1000  }
0xbc: {  	[sflag:s1] =	ssyncset.done $0x0  }
0xbd: {  	[sflag:s1] =	ssyncadd.s32 $0xFFFFF000  }
0xbe: {  	_ =	swait.ge [sflag:s1], $0x1000  }
0xbf: {  	[sflag:s1] =	ssyncset.done $0x0  }
0xc0: {  	[sflag:s1] =	ssyncadd.s32 $0xFFFFF000  }
0xc1: {  	_ =	swait.ge [sflag:s1], $0x1000  }
0xc2: {  	[sflag:s1] =	ssyncset.done $0x0  }
0xc3: {  	s21 =	simm.s32 $0x4040;
	[sflag:s1] =	ssyncadd.s32 $0xFFFFF000  }
0xc4: {  	s14 =	simm.s32 $0x5040;
	v2 =	vld [tilespmem:s21+$0x10]  }
0xc5: {  	v3 =	vld [tilespmem:s14+$0xFFFFFFF0]  }
0xc6: {  	v4 =	vld [tilespmem:s14+$0x10]  }
0xc7: {  	s16 =	simm.s32 $0x7040;
	v5 =	vld [tilespmem:s14+$0x30]  }
0xc8: {  	v6 =	vld [tilespmem:s16+$0x10]  }
0xc9: {  	s15 =	simm.s32 $0x6040;
	v7 =	vld [tilespmem:s16+$0x30]  }
0xca: {  	v8 =	vld [tilespmem:s15+$0x30]  }
0xcb: {  	v9 =	vld [tilespmem:s21+$0x30]  }
0xcc: {  	v10 =	vld [tilespmem:s15+$0x10]  }
0xcd: {  	v11 =	vld [tilespmem:s15+$0x20]  }
0xce: {  	v13 =	vld [tilespmem:s15+$0x0]  }
0xcf: {  	v16 =	vld [tilespmem:s15+$0xFFFFFFD0]  }
0xd0: {  	v5 =	vshra.s32 v5, $0x3  }
0xd1: {  	v12 =	vshra.s32 v2, $0x3;
	v6 =	vshll.u32 v6, $0x3;
	v4 =	vshra.s32 v4, $0x3  }
0xd2: {  	v18 =	vld [tilespmem:s21+$0xFFFFFFE0];
	v7 =	vshll.u32 v7, $0x3;
	v8 =	vmul.f32 $8.000000000e+00, v8;
	v15 =	vshra.s32 v3, $0x3  }
0xd3: {  	v3 =	vshra.s32 v9, $0x3;
	v10 =	vmul.f32 $8.000000000e+00, v10;
	v11 =	vmul.f32 $8.000000000e+00, v11  }
0xd4: {  	v2 =	vld [tilespmem:s14+$0xFFFFFFE0];
	v13 =	vmul.f32 $8.000000000e+00, v13;
	v16 =	vmul.f32 $8.000000000e+00, v16;
	vm0 =	vlt.s32 v5, $0x19  }
0xd5: {  	v9 =	vld [tilespmem:s15+$0xFFFFFFE0];
	v5 =	vnsel vm0, $0x19, v5;
	v8 =	vtrunc.f32 v8;
	v10 =	vtrunc.f32 v10  }
0xd6: {  	vm0 =	vlt.s32 v4, $0x19;
	v11 =	vtrunc.f32 v11;
	v21 =	vtrunc.f32 v13  }
0xd7: {  	v14 =	vld [tilespmem:s15+$0xFFFFFFF0];
	v13 =	vshra.s32 v18, $0x3;
	v5 =	vmul.u32 $0x28, v5;
	v4 =	vnsel vm0, $0x19, v4  }
0xd8: {  	v19 =	vld [tilespmem:s16+$0xFFFFFFE0];
	vm0 =	vlt.s32 v15, $0x19;
	v8 =	vcvt.f32.s32 v8;
	v10 =	vcvt.f32.s32 v10  }
0xd9: {  	v4 =	vmul.u32 $0x28, v4;
	v3 =	vadd.s32 v3, v5;
	v5 =	vnsel vm0, $0x19, v15;
	v15 =	vld [tilespmem:s15+$0xFFFFFFC0]  }
0xda: {  	v17 =	vshra.s32 v2, $0x3;
	v9 =	vmul.f32 $8.000000000e+00, v9;
	v7 =	vadd.s32 v8, v7;
	v8 =	vld [tilespmem:s16+$0xFFFFFFF0]  }
0xdb: {  	v10 =	vadd.s32 v10, v6;
	v2 =	vmul.u32 $0x28, v5;
	v5 =	vld [tilespmem:s14+$0xFFFFFFD0];
	vm0 =	vlt.s32 v17, $0x19  }
0xdc: {  	v12 =	vadd.s32 v12, v4;
	v6 =	vmul.u32 $0x410, v7;
	v4 =	vnsel vm0, $0x19, v17;
	v17 =	vld [tilespmem:s14+$0x20]  }
0xdd: {  	v10 =	vmul.u32 $0x410, v10;
	v7 =	vtrunc.f32 v9;
	v9 =	vmul.f32 $8.000000000e+00, v14;
	v14 =	vld [tilespmem:s21+$0xFFFFFFD0]  }
0xde: {  	v22 =	vld [tilespmem:s16+$0x20];
	v11 =	vcvt.f32.s32 v11;
	v21 =	vcvt.f32.s32 v21;
	v20 =	vmul.u32 $0x28, v4  }
0xdf: {  	v23 =	vld [tilespmem:s14+$0xFFFFFFC0];
	v10 =	vadd.s32 v10, v12;
	v12 =	vcvt.f32.s32 v7;
	v4 =	vtrunc.f32 v9  }
0xe0: {  	v24 =	vld [tilespmem:s16+$0xFFFFFFC0];
	v18 =	vcvt.f32.s32 v4;
	v7 =	vadd.s32 v13, v20;
	v5 =	vshra.s32 v5, $0x3  }
0xe1: {  	v4 =	vld [tilespmem:s21+$0x0];
	v8 =	vshll.u32 v8, $0x3;
	v15 =	vmul.f32 $8.000000000e+00, v15;
	vm0 =	vlt.s32 v5, $0x19  }
0xe2: {  	v9 =	vshra.s32 v17, $0x3;
	v17 =	vld [tilespmem:s14+$0x0];
	v13 =	vshra.s32 v14, $0x3;
	v5 =	vnsel vm0, $0x19, v5  }
0xe3: {  	v14 =	vshll.u32 v19, $0x3;
	v8 =	vadd.s32 v18, v8;
	v18 =	vld [tilespmem:s16+$0x0];
	v5 =	vmul.u32 $0x28, v5  }
0xe4: {  	v20 =	vtrunc.f32 v16;
	v19 =	vld [tilespmem:s21+$0xFFFFFFF0];
	v12 =	vadd.s32 v12, v14;
	vm1 =	vlt.s32 v9, $0x19  }
0xe5: {  	[tilespmem:v10+s25+$0x0] =	vst.idx.add.f32.msk $0xffff, v1;
	v14 =	vshll.u32 v24, $0x3;
	v5 =	vadd.s32 v13, v5;
	v13 =	vshll.u32 v22, $0x3  }
0xe6: {  	v16 =	vmul.u32 $0x410, v12;
	v10 =	vadd.s32 v11, v13;
	v13 =	vtrunc.f32 v15;
	v15 =	vld [tilespmem:s21+$0x20]  }
0xe7: {  	v22 =	vshra.s32 v23, $0x3;
	v11 =	vmul.u32 $0x410, v8;
	v12 =	vshra.s32 v17, $0x3;
	v17 =	vld [tilespmem:s21+$0xFFFFFFC0]  }
0xe8: {  	s9 =	simm.s32 $0x70C0;
	s21 =	simm.s32 $0x40C0;
	v10 =	vmul.u32 $0x410, v10;
	v8 =	vcvt.f32.s32 v13;
	v13 =	vld [tilespmem:s16+$0xFFFFFFD0];
	s16 =	simm.s32 $0x0;
	vm0 =	vlt.s32 v12, $0x19  }
.LBB2_7:
0xe9: {  	v23 =	vld [tilespmem:s21+$0x10];
	s16 =	sadd.s32 $0x8, s16;
	v18 =	vshll.u32 v18, $0x3;
	v9 =	vnsel vm1, $0x19, v9;
	v3 =	vadd.s32 v6, v3;
	s14 =	sadd.s32 $0x80, s14;
	s15 =	sadd.s32 $0x80, s15  }
0xea: {  	vm1 =	vlt.s32 v22, $0x19;
	v6 =	vld [tilespmem:s15+$0x10];
	p0 =	slt.u32 s16, $0xF8;
	v19 =	vshra.s32 v19, $0x3;
	v9 =	vmul.u32 $0x28, v9  }
0xeb: {  	v20 =	vcvt.f32.s32 v20;
	v22 =	vnsel vm1, $0x19, v22;
	v18 =	vadd.s32 v21, v18;
	v24 =	vld [tilespmem:s15+$0x20]  }
0xec: {  	v22 =	vmul.u32 $0x28, v22;
	v2 =	vadd.s32 v19, v2;
	v15 =	vshra.s32 v15, $0x3;
	v21 =	vld [tilespmem:s14+$0xFFFFFFF0]  }
0xed: {  	v7 =	vadd.s32 v16, v7;
	v2 =	vadd.s32 v11, v2;
	v9 =	vadd.s32 v15, v9;
	v19 =	vld [tilespmem:s14+$0x10]  }
0xee: {  	v13 =	vshll.u32 v13, $0x3;
	v15 =	vshra.s32 v17, $0x3;
	v9 =	vadd.s32 v10, v9;
	v11 =	vld [tilespmem:s15+$0x30]  }
0xef: {  	v8 =	vadd.s32 v8, v14;
	v12 =	vnsel vm0, $0x19, v12;
	v14 =	vadd.s32 v15, v22;
	v10 =	vld [tilespmem:s9+$0x10]  }
0xf0: {  	v8 =	vmul.u32 $0x410, v8;
	v12 =	vmul.u32 $0x28, v12;
	v13 =	vadd.s32 v20, v13;
	v15 =	vld [tilespmem:s14+$0x30]  }
0xf1: {  	v4 =	vshra.s32 v4, $0x3;
	v17 =	vmul.u32 $0x410, v18;
	v13 =	vmul.u32 $0x410, v13;
	v16 =	vld [tilespmem:s9+$0x30]  }
0xf2: {  	v4 =	vadd.s32 v4, v12;
	v8 =	vadd.s32 v8, v14;
	[tilespmem:v7+s25+$0x0] =	vst.idx.add.f32.msk $0xffff, v1  }
0xf3: {  	v5 =	vadd.s32 v13, v5;
	[tilespmem:v2+s25+$0x0] =	vst.idx.add.f32.msk $0xffff, v1;
	v2 =	vadd.s32 v17, v4  }
0xf4: {  	v4 =	vld [tilespmem:s21+$0x30]  }
0xf5: {  	[tilespmem:v3+s25+$0x0] =	vst.idx.add.f32.msk $0xffff, v1  }
0xf6: {  	[tilespmem:v9+s25+$0x0] =	vst.idx.add.f32.msk $0xffff, v1  }
0xf7: {  	[tilespmem:v8+s25+$0x0] =	vst.idx.add.f32.msk $0xffff, v1  }
0xf8: {  	v3 =	vshra.s32 v15, $0x3;
	[tilespmem:v2+s25+$0x0] =	vst.idx.add.f32.msk $0xffff, v1  }
0xf9: {  	v7 =	vshra.s32 v23, $0x3;
	vm0 =	vlt.s32 v3, $0x19;
	v8 =	vshll.u32 v10, $0x3;
	[tilespmem:v5+s25+$0x0] =	vst.idx.add.f32.msk $0xffff, v1  }
0xfa: {  	v9 =	vshll.u32 v16, $0x3;
	v3 =	vnsel vm0, $0x19, v3;
	v5 =	vshra.s32 v19, $0x3;
	v2 =	vld [tilespmem:s14+$0xFFFFFFE0]  }
0xfb: {  	v11 =	vmul.f32 $8.000000000e+00, v11;
	v3 =	vmul.u32 $0x28, v3;
	vm0 =	vlt.s32 v5, $0x19;
	v10 =	vld [tilespmem:s15+$0x0]  }
0xfc: {  	v13 =	vshra.s32 v21, $0x3;
	v4 =	vshra.s32 v4, $0x3;
	v5 =	vnsel vm0, $0x19, v5;
	v12 =	vld [tilespmem:s15+$0xFFFFFFF0]  }
0xfd: {  	v11 =	vtrunc.f32 v11;
	v3 =	vadd.s32 v4, v3;
	vm0 =	vlt.s32 v13, $0x19;
	v14 =	vld [tilespmem:s15+$0xFFFFFFE0]  }
0xfe: {  	v6 =	vmul.f32 $8.000000000e+00, v6;
	v4 =	vnsel vm0, $0x19, v13;
	v13 =	vmul.f32 $8.000000000e+00, v24;
	v15 =	vld [tilespmem:s15+$0xFFFFFFD0]  }
0xff: {  	v16 =	vld [tilespmem:s15+$0xFFFFFFC0];
	v17 =	vshra.s32 v2, $0x3;
	v2 =	vmul.u32 $0x28, v4;
	v4 =	vmul.u32 $0x28, v5  }
0x100: {  	v6 =	vtrunc.f32 v6;
	v11 =	vcvt.f32.s32 v11;
	v5 =	vld [tilespmem:s14+$0xFFFFFFD0];
	vm0 =	vlt.s32 v17, $0x19  }
0x101: {  	v6 =	vcvt.f32.s32 v6;
	v13 =	vtrunc.f32 v13;
	v18 =	vld [tilespmem:s21+$0xFFFFFFE0];
	v7 =	vadd.s32 v7, v4  }
0x102: {  	v9 =	vadd.s32 v11, v9;
	v4 =	vnsel vm0, $0x19, v17;
	v14 =	vmul.f32 $8.000000000e+00, v14;
	v17 =	vld [tilespmem:s14+$0x20]  }
0x103: {  	v8 =	vadd.s32 v6, v8;
	v6 =	vmul.u32 $0x410, v9;
	v10 =	vmul.f32 $8.000000000e+00, v10;
	v11 =	vld [tilespmem:s9+$0xFFFFFFF0]  }
0x104: {  	v8 =	vmul.u32 $0x410, v8;
	v12 =	vmul.f32 $8.000000000e+00, v12;
	v19 =	vld [tilespmem:s9+$0xFFFFFFE0];
	v9 =	vtrunc.f32 v14  }
0x105: {  	v20 =	vmul.u32 $0x28, v4;
	v21 =	vtrunc.f32 v10;
	v14 =	vld [tilespmem:s21+$0xFFFFFFD0];
	v5 =	vshra.s32 v5, $0x3  }
0x106: {  	v4 =	vtrunc.f32 v12;
	vm0 =	vlt.s32 v5, $0x19;
	v10 =	vshra.s32 v18, $0x3;
	v12 =	vld [tilespmem:s9+$0x20]  }
0x107: {  	v13 =	vcvt.f32.s32 v13;
	v8 =	vadd.s32 v8, v7;
	v18 =	vcvt.f32.s32 v4;
	v4 =	vld [tilespmem:s21+$0x0]  }
0x108: {  	v23 =	vcvt.f32.s32 v9;
	v5 =	vnsel vm0, $0x19, v5;
	v9 =	vshra.s32 v17, $0x3;
	v22 =	vld [tilespmem:s14+$0xFFFFFFC0]  }
0x109: {  	v7 =	vadd.s32 v10, v20;
	v5 =	vmul.u32 $0x28, v5;
	v10 =	vshll.u32 v11, $0x3;
	v17 =	vld [tilespmem:s14+$0x0]  }
0x10a: {  	v10 =	vadd.s32 v18, v10;
	v24 =	vld [tilespmem:s9+$0xFFFFFFC0];
	v11 =	vshra.s32 v14, $0x3;
	v14 =	vshll.u32 v19, $0x3  }
0x10b: {  	v16 =	vmul.f32 $8.000000000e+00, v16;
	v5 =	vadd.s32 v11, v5;
	v18 =	vld [tilespmem:s9+$0x0];
	v11 =	vshll.u32 v12, $0x3  }
.Ltmp2:
0x10c: {  	v12 =	vmul.f32 $8.000000000e+00, v15;
	v14 =	vadd.s32 v23, v14;
	[tilespmem:v8+s25+$0x0] =	vst.idx.add.f32.msk $0xffff, v1;
	v8 =	vadd.s32 v13, v11;
	(pc) =	sbr.rel @p0 .LBB2_7-.Ltmp2, $4  }
0x10d: {  	v13 =	vtrunc.f32 v16;
	v11 =	vmul.u32 $0x410, v10;
	v19 =	vld [tilespmem:s21+$0xFFFFFFF0];
	v10 =	vmul.u32 $0x410, v8  }
0x10e: {  	vm1 =	vlt.s32 v9, $0x19;
	v8 =	vcvt.f32.s32 v13;
	v20 =	vtrunc.f32 v12;
	v15 =	vld [tilespmem:s21+$0x20]  }
0x10f: {  	v21 =	vcvt.f32.s32 v21;
	v16 =	vmul.u32 $0x410, v14;
	v12 =	vshra.s32 v17, $0x3;
	v13 =	vld [tilespmem:s9+$0xFFFFFFD0]  }
0x110: {  	v22 =	vshra.s32 v22, $0x3;
	v14 =	vshll.u32 v24, $0x3;
	vm0 =	vlt.s32 v12, $0x19;
	s9 =	sadd.s32 $0x80, s9;
	v17 =	vld [tilespmem:s21+$0xFFFFFFC0];
	s21 =	sadd.s32 $0x80, s21  }
0x111: {  	v18 =	vshll.u32 v18, $0x3  }
0x112: {  	v9 =	vnsel vm1, $0x19, v9;
	v3 =	vadd.s32 v6, v3;
	vm1 =	vlt.s32 v22, $0x19  }
0x113: {  	v20 =	vcvt.f32.s32 v20;
	v7 =	vadd.s32 v16, v7;
	v8 =	vadd.s32 v8, v14  }
0x114: {  	v6 =	vshra.s32 v19, $0x3;
	v9 =	vmul.u32 $0x28, v9;
	v19 =	vnsel vm1, $0x19, v22  }
0x115: {  	v18 =	vadd.s32 v21, v18;
	v8 =	vmul.u32 $0x410, v8;
	v2 =	vadd.s32 v6, v2  }
0x116: {  	v19 =	vmul.u32 $0x28, v19;
	v6 =	vshra.s32 v15, $0x3;
	v2 =	vadd.s32 v11, v2  }
0x117: {  	v6 =	vadd.s32 v6, v9;
	v11 =	vshll.u32 v13, $0x3;
	v9 =	vshra.s32 v17, $0x3  }
0x118: {  	v6 =	vadd.s32 v10, v6;
	v10 =	vnsel vm0, $0x19, v12;
	v11 =	vadd.s32 v20, v11  }
0x119: {  	v9 =	vadd.s32 v9, v19;
	v10 =	vmul.u32 $0x28, v10;
	v11 =	vmul.u32 $0x410, v11  }
0x11a: {  	v4 =	vshra.s32 v4, $0x3;
	v12 =	vmul.u32 $0x410, v18;
	v8 =	vadd.s32 v8, v9  }
0x11b: {  	[tilespmem:v7+s25+$0x0] =	vst.idx.add.f32.msk $0xffff, v1;
	v4 =	vadd.s32 v4, v10;
	v5 =	vadd.s32 v11, v5  }
0x11c: {  	[tilespmem:v3+s25+$0x0] =	vst.idx.add.f32.msk $0xffff, v1;
	v4 =	vadd.s32 v12, v4  }
0x11d: {  	[tilespmem:v2+s25+$0x0] =	vst.idx.add.f32.msk $0xffff, v1  }
0x11e: {  	p0 =	seq.s32 s12, $0xF;
	[tilespmem:v6+s25+$0x0] =	vst.idx.add.f32.msk $0xffff, v1  }
0x11f: {  	s9 =	sadd.s32 @!p0 s13, s22;
	[tilespmem:v8+s25+$0x0] =	vst.idx.add.f32.msk $0xffff, v1  }
0x120: {  	s9 =	sshrl.u32 @!p0 s9, $0x3;
	[tilespmem:v5+s25+$0x0] =	vst.idx.add.f32.msk $0xffff, v1  }
0x121: {  	s15 =	simm.s32 @!p0 $0x0;
	s14 =	sadd.s32 @!p0 s0, s9;
	[tilespmem:v4+s25+$0x0] =	vst.idx.add.f32.msk $0xffff, v1  }
0x122: {  	[tilespmem:s15], [sflag:$0x1] =	stream.linear.gather @!p0 [hbm4b:s14+s15], $0x1000, $0x38;
	[tilespmem:$0x18680] =	vst v63  }
0x123: {  	s16 =	simm.s32 @!p0 $0x1000;
	s14 =	sadd.s32 @!p0 s2, s9  }
0x124: {  	[tilespmem:s16], [sflag:$0x1] =	stream.linear.gather @!p0 [hbm4b:s14+s15], $0x1000, $0x38;
	[tilespmem:$0x18680] =	vst v63  }
0x125: {  	s14 =	sadd.s32 @!p0 s3, s9;
	s16 =	simm.s32 @!p0 $0x2000  }
0x126: {  	[tilespmem:s16], [sflag:$0x1] =	stream.linear.gather @!p0 [hbm4b:s14+s15], $0x1000, $0x38;
	[tilespmem:$0x18680] =	vst v63  }
0x127: {  	s9 =	sadd.s32 @!p0 s4, s9;
	s14 =	simm.s32 @!p0 $0x3000  }
0x128: {  	[tilespmem:s14], [sflag:$0x1] =	stream.linear.gather @!p0 [hbm4b:s9+s15], $0x1000, $0x38;
	[tilespmem:$0x18680] =	vst v63  }
0x129: {  	_ =	swait.ge [sflag:s5], $0x1000  }
0x12a: {  	[sflag:s5] =	ssyncset.done $0x0  }
0x12b: {  	[sflag:s5] =	ssyncadd.s32 $0xFFFFF000  }
0x12c: {  	_ =	swait.ge [sflag:s5], $0x1000  }
0x12d: {  	[sflag:s5] =	ssyncset.done $0x0  }
0x12e: {  	[sflag:s5] =	ssyncadd.s32 $0xFFFFF000  }
0x12f: {  	_ =	swait.ge [sflag:s5], $0x1000  }
0x130: {  	[sflag:s5] =	ssyncset.done $0x0  }
0x131: {  	[sflag:s5] =	ssyncadd.s32 $0xFFFFF000  }
0x132: {  	_ =	swait.ge [sflag:s5], $0x1000  }
0x133: {  	[sflag:s5] =	ssyncset.done $0x0  }
0x134: {  	s9 =	simm.s32 $0x8040;
	[sflag:s5] =	ssyncadd.s32 $0xFFFFF000  }
0x135: {  	s14 =	simm.s32 $0x9040;
	v2 =	vld [tilespmem:s9+$0x10]  }
0x136: {  	v3 =	vld [tilespmem:s14+$0xFFFFFFF0]  }
0x137: {  	v4 =	vld [tilespmem:s14+$0x10]  }
0x138: {  	s21 =	simm.s32 $0xB040;
	v5 =	vld [tilespmem:s14+$0x30]  }
0x139: {  	v6 =	vld [tilespmem:s21+$0x10]  }
0x13a: {  	s15 =	simm.s32 $0xA040;
	v7 =	vld [tilespmem:s21+$0x30]  }
0x13b: {  	v8 =	vld [tilespmem:s15+$0x30]  }
0x13c: {  	v9 =	vld [tilespmem:s9+$0x30]  }
0x13d: {  	v10 =	vld [tilespmem:s15+$0x10]  }
0x13e: {  	v11 =	vld [tilespmem:s15+$0x20]  }
0x13f: {  	v13 =	vld [tilespmem:s15+$0x0]  }
0x140: {  	v16 =	vld [tilespmem:s15+$0xFFFFFFD0]  }
0x141: {  	v5 =	vshra.s32 v5, $0x3  }
0x142: {  	v12 =	vshra.s32 v2, $0x3;
	v6 =	vshll.u32 v6, $0x3;
	v4 =	vshra.s32 v4, $0x3  }
0x143: {  	v18 =	vld [tilespmem:s9+$0xFFFFFFE0];
	v7 =	vshll.u32 v7, $0x3;
	v8 =	vmul.f32 $8.000000000e+00, v8;
	v15 =	vshra.s32 v3, $0x3  }
0x144: {  	v3 =	vshra.s32 v9, $0x3;
	v10 =	vmul.f32 $8.000000000e+00, v10;
	v11 =	vmul.f32 $8.000000000e+00, v11  }
0x145: {  	v2 =	vld [tilespmem:s14+$0xFFFFFFE0];
	v13 =	vmul.f32 $8.000000000e+00, v13;
	v16 =	vmul.f32 $8.000000000e+00, v16;
	vm0 =	vlt.s32 v5, $0x19  }
0x146: {  	v9 =	vld [tilespmem:s15+$0xFFFFFFE0];
	v5 =	vnsel vm0, $0x19, v5;
	v8 =	vtrunc.f32 v8;
	v10 =	vtrunc.f32 v10  }
0x147: {  	vm0 =	vlt.s32 v4, $0x19;
	v11 =	vtrunc.f32 v11;
	v21 =	vtrunc.f32 v13  }
0x148: {  	v14 =	vld [tilespmem:s15+$0xFFFFFFF0];
	v13 =	vshra.s32 v18, $0x3;
	v5 =	vmul.u32 $0x28, v5;
	v4 =	vnsel vm0, $0x19, v4  }
0x149: {  	v19 =	vld [tilespmem:s21+$0xFFFFFFE0];
	vm0 =	vlt.s32 v15, $0x19;
	v8 =	vcvt.f32.s32 v8;
	v10 =	vcvt.f32.s32 v10  }
0x14a: {  	v4 =	vmul.u32 $0x28, v4;
	v3 =	vadd.s32 v3, v5;
	v5 =	vnsel vm0, $0x19, v15;
	v15 =	vld [tilespmem:s15+$0xFFFFFFC0]  }
0x14b: {  	v17 =	vshra.s32 v2, $0x3;
	v9 =	vmul.f32 $8.000000000e+00, v9;
	v7 =	vadd.s32 v8, v7;
	v8 =	vld [tilespmem:s21+$0xFFFFFFF0]  }
0x14c: {  	v10 =	vadd.s32 v10, v6;
	v2 =	vmul.u32 $0x28, v5;
	v5 =	vld [tilespmem:s14+$0xFFFFFFD0];
	vm0 =	vlt.s32 v17, $0x19  }
0x14d: {  	v12 =	vadd.s32 v12, v4;
	v6 =	vmul.u32 $0x410, v7;
	v4 =	vnsel vm0, $0x19, v17;
	v17 =	vld [tilespmem:s14+$0x20]  }
0x14e: {  	v10 =	vmul.u32 $0x410, v10;
	v7 =	vtrunc.f32 v9;
	v9 =	vmul.f32 $8.000000000e+00, v14;
	v14 =	vld [tilespmem:s9+$0xFFFFFFD0]  }
0x14f: {  	v22 =	vld [tilespmem:s21+$0x20];
	v11 =	vcvt.f32.s32 v11;
	v21 =	vcvt.f32.s32 v21;
	v20 =	vmul.u32 $0x28, v4  }
0x150: {  	v23 =	vld [tilespmem:s14+$0xFFFFFFC0];
	v10 =	vadd.s32 v10, v12;
	v12 =	vcvt.f32.s32 v7;
	v4 =	vtrunc.f32 v9  }
0x151: {  	v24 =	vld [tilespmem:s21+$0xFFFFFFC0];
	v18 =	vcvt.f32.s32 v4;
	v7 =	vadd.s32 v13, v20;
	v5 =	vshra.s32 v5, $0x3  }
0x152: {  	v4 =	vld [tilespmem:s9+$0x0];
	v8 =	vshll.u32 v8, $0x3;
	v15 =	vmul.f32 $8.000000000e+00, v15;
	vm0 =	vlt.s32 v5, $0x19  }
0x153: {  	v9 =	vshra.s32 v17, $0x3;
	v17 =	vld [tilespmem:s14+$0x0];
	v13 =	vshra.s32 v14, $0x3;
	v5 =	vnsel vm0, $0x19, v5  }
0x154: {  	v14 =	vshll.u32 v19, $0x3;
	v8 =	vadd.s32 v18, v8;
	v18 =	vld [tilespmem:s21+$0x0];
	v5 =	vmul.u32 $0x28, v5  }
0x155: {  	v20 =	vtrunc.f32 v16;
	v19 =	vld [tilespmem:s9+$0xFFFFFFF0];
	v12 =	vadd.s32 v12, v14;
	vm1 =	vlt.s32 v9, $0x19  }
0x156: {  	[tilespmem:v10+s25+$0x0] =	vst.idx.add.f32.msk $0xffff, v1;
	v14 =	vshll.u32 v24, $0x3;
	v5 =	vadd.s32 v13, v5;
	v13 =	vshll.u32 v22, $0x3  }
0x157: {  	v16 =	vmul.u32 $0x410, v12;
	v10 =	vadd.s32 v11, v13;
	v13 =	vtrunc.f32 v15;
	v15 =	vld [tilespmem:s9+$0x20]  }
0x158: {  	v22 =	vshra.s32 v23, $0x3;
	v11 =	vmul.u32 $0x410, v8;
	v12 =	vshra.s32 v17, $0x3;
	v17 =	vld [tilespmem:s9+$0xFFFFFFC0]  }
0x159: {  	s16 =	simm.s32 $0x0;
	s9 =	simm.s32 $0xB0C0;
	v10 =	vmul.u32 $0x410, v10;
	v8 =	vcvt.f32.s32 v13;
	v13 =	vld [tilespmem:s21+$0xFFFFFFD0];
	vm0 =	vlt.s32 v12, $0x19;
	s21 =	simm.s32 $0x80C0  }
.LBB2_9:
0x15a: {  	v23 =	vld [tilespmem:s21+$0x10];
	s16 =	sadd.s32 $0x8, s16;
	v18 =	vshll.u32 v18, $0x3;
	v9 =	vnsel vm1, $0x19, v9;
	v3 =	vadd.s32 v6, v3;
	s14 =	sadd.s32 $0x80, s14;
	s15 =	sadd.s32 $0x80, s15  }
0x15b: {  	vm1 =	vlt.s32 v22, $0x19;
	v6 =	vld [tilespmem:s15+$0x10];
	p1 =	slt.u32 s16, $0xF8;
	v19 =	vshra.s32 v19, $0x3;
	v9 =	vmul.u32 $0x28, v9  }
0x15c: {  	v20 =	vcvt.f32.s32 v20;
	v22 =	vnsel vm1, $0x19, v22;
	v18 =	vadd.s32 v21, v18;
	v24 =	vld [tilespmem:s15+$0x20]  }
0x15d: {  	v22 =	vmul.u32 $0x28, v22;
	v2 =	vadd.s32 v19, v2;
	v15 =	vshra.s32 v15, $0x3;
	v21 =	vld [tilespmem:s14+$0xFFFFFFF0]  }
0x15e: {  	v7 =	vadd.s32 v16, v7;
	v2 =	vadd.s32 v11, v2;
	v9 =	vadd.s32 v15, v9;
	v19 =	vld [tilespmem:s14+$0x10]  }
0x15f: {  	v13 =	vshll.u32 v13, $0x3;
	v15 =	vshra.s32 v17, $0x3;
	v9 =	vadd.s32 v10, v9;
	v11 =	vld [tilespmem:s15+$0x30]  }
0x160: {  	v8 =	vadd.s32 v8, v14;
	v12 =	vnsel vm0, $0x19, v12;
	v14 =	vadd.s32 v15, v22;
	v10 =	vld [tilespmem:s9+$0x10]  }
0x161: {  	v8 =	vmul.u32 $0x410, v8;
	v12 =	vmul.u32 $0x28, v12;
	v13 =	vadd.s32 v20, v13;
	v15 =	vld [tilespmem:s14+$0x30]  }
0x162: {  	v4 =	vshra.s32 v4, $0x3;
	v17 =	vmul.u32 $0x410, v18;
	v13 =	vmul.u32 $0x410, v13;
	v16 =	vld [tilespmem:s9+$0x30]  }
0x163: {  	v4 =	vadd.s32 v4, v12;
	v8 =	vadd.s32 v8, v14;
	[tilespmem:v7+s25+$0x0] =	vst.idx.add.f32.msk $0xffff, v1  }
0x164: {  	v5 =	vadd.s32 v13, v5;
	[tilespmem:v2+s25+$0x0] =	vst.idx.add.f32.msk $0xffff, v1;
	v2 =	vadd.s32 v17, v4  }
0x165: {  	v4 =	vld [tilespmem:s21+$0x30]  }
0x166: {  	[tilespmem:v3+s25+$0x0] =	vst.idx.add.f32.msk $0xffff, v1  }
0x167: {  	[tilespmem:v9+s25+$0x0] =	vst.idx.add.f32.msk $0xffff, v1  }
0x168: {  	[tilespmem:v8+s25+$0x0] =	vst.idx.add.f32.msk $0xffff, v1  }
0x169: {  	v3 =	vshra.s32 v15, $0x3;
	[tilespmem:v2+s25+$0x0] =	vst.idx.add.f32.msk $0xffff, v1  }
0x16a: {  	v7 =	vshra.s32 v23, $0x3;
	vm0 =	vlt.s32 v3, $0x19;
	v8 =	vshll.u32 v10, $0x3;
	[tilespmem:v5+s25+$0x0] =	vst.idx.add.f32.msk $0xffff, v1  }
0x16b: {  	v9 =	vshll.u32 v16, $0x3;
	v3 =	vnsel vm0, $0x19, v3;
	v5 =	vshra.s32 v19, $0x3;
	v2 =	vld [tilespmem:s14+$0xFFFFFFE0]  }
0x16c: {  	v11 =	vmul.f32 $8.000000000e+00, v11;
	v3 =	vmul.u32 $0x28, v3;
	vm0 =	vlt.s32 v5, $0x19;
	v10 =	vld [tilespmem:s15+$0x0]  }
0x16d: {  	v13 =	vshra.s32 v21, $0x3;
	v4 =	vshra.s32 v4, $0x3;
	v5 =	vnsel vm0, $0x19, v5;
	v12 =	vld [tilespmem:s15+$0xFFFFFFF0]  }
0x16e: {  	v11 =	vtrunc.f32 v11;
	v3 =	vadd.s32 v4, v3;
	vm0 =	vlt.s32 v13, $0x19;
	v14 =	vld [tilespmem:s15+$0xFFFFFFE0]  }
0x16f: {  	v6 =	vmul.f32 $8.000000000e+00, v6;
	v4 =	vnsel vm0, $0x19, v13;
	v13 =	vmul.f32 $8.000000000e+00, v24;
	v15 =	vld [tilespmem:s15+$0xFFFFFFD0]  }
0x170: {  	v16 =	vld [tilespmem:s15+$0xFFFFFFC0];
	v17 =	vshra.s32 v2, $0x3;
	v2 =	vmul.u32 $0x28, v4;
	v4 =	vmul.u32 $0x28, v5  }
0x171: {  	v6 =	vtrunc.f32 v6;
	v11 =	vcvt.f32.s32 v11;
	v5 =	vld [tilespmem:s14+$0xFFFFFFD0];
	vm0 =	vlt.s32 v17, $0x19  }
0x172: {  	v6 =	vcvt.f32.s32 v6;
	v13 =	vtrunc.f32 v13;
	v18 =	vld [tilespmem:s21+$0xFFFFFFE0];
	v7 =	vadd.s32 v7, v4  }
0x173: {  	v9 =	vadd.s32 v11, v9;
	v4 =	vnsel vm0, $0x19, v17;
	v14 =	vmul.f32 $8.000000000e+00, v14;
	v17 =	vld [tilespmem:s14+$0x20]  }
0x174: {  	v8 =	vadd.s32 v6, v8;
	v6 =	vmul.u32 $0x410, v9;
	v10 =	vmul.f32 $8.000000000e+00, v10;
	v11 =	vld [tilespmem:s9+$0xFFFFFFF0]  }
0x175: {  	v8 =	vmul.u32 $0x410, v8;
	v12 =	vmul.f32 $8.000000000e+00, v12;
	v19 =	vld [tilespmem:s9+$0xFFFFFFE0];
	v9 =	vtrunc.f32 v14  }
0x176: {  	v20 =	vmul.u32 $0x28, v4;
	v21 =	vtrunc.f32 v10;
	v14 =	vld [tilespmem:s21+$0xFFFFFFD0];
	v5 =	vshra.s32 v5, $0x3  }
0x177: {  	v4 =	vtrunc.f32 v12;
	vm0 =	vlt.s32 v5, $0x19;
	v10 =	vshra.s32 v18, $0x3;
	v12 =	vld [tilespmem:s9+$0x20]  }
0x178: {  	v13 =	vcvt.f32.s32 v13;
	v8 =	vadd.s32 v8, v7;
	v18 =	vcvt.f32.s32 v4;
	v4 =	vld [tilespmem:s21+$0x0]  }
0x179: {  	v23 =	vcvt.f32.s32 v9;
	v5 =	vnsel vm0, $0x19, v5;
	v9 =	vshra.s32 v17, $0x3;
	v22 =	vld [tilespmem:s14+$0xFFFFFFC0]  }
0x17a: {  	v7 =	vadd.s32 v10, v20;
	v5 =	vmul.u32 $0x28, v5;
	v10 =	vshll.u32 v11, $0x3;
	v17 =	vld [tilespmem:s14+$0x0]  }
0x17b: {  	v10 =	vadd.s32 v18, v10;
	v24 =	vld [tilespmem:s9+$0xFFFFFFC0];
	v11 =	vshra.s32 v14, $0x3;
	v14 =	vshll.u32 v19, $0x3  }
0x17c: {  	v16 =	vmul.f32 $8.000000000e+00, v16;
	v5 =	vadd.s32 v11, v5;
	v18 =	vld [tilespmem:s9+$0x0];
	v11 =	vshll.u32 v12, $0x3  }
.Ltmp3:
0x17d: {  	v12 =	vmul.f32 $8.000000000e+00, v15;
	v14 =	vadd.s32 v23, v14;
	[tilespmem:v8+s25+$0x0] =	vst.idx.add.f32.msk $0xffff, v1;
	v8 =	vadd.s32 v13, v11;
	(pc) =	sbr.rel @p1 .LBB2_9-.Ltmp3, $4  }
0x17e: {  	v13 =	vtrunc.f32 v16;
	v11 =	vmul.u32 $0x410, v10;
	v19 =	vld [tilespmem:s21+$0xFFFFFFF0];
	v10 =	vmul.u32 $0x410, v8  }
0x17f: {  	vm1 =	vlt.s32 v9, $0x19;
	v8 =	vcvt.f32.s32 v13;
	v20 =	vtrunc.f32 v12;
	v15 =	vld [tilespmem:s21+$0x20]  }
0x180: {  	v21 =	vcvt.f32.s32 v21;
	v16 =	vmul.u32 $0x410, v14;
	v12 =	vshra.s32 v17, $0x3;
	v13 =	vld [tilespmem:s9+$0xFFFFFFD0]  }
0x181: {  	v22 =	vshra.s32 v22, $0x3;
	v14 =	vshll.u32 v24, $0x3;
	vm0 =	vlt.s32 v12, $0x19;
	s9 =	sadd.s32 $0x80, s9;
	v17 =	vld [tilespmem:s21+$0xFFFFFFC0];
	s21 =	sadd.s32 $0x80, s21  }
0x182: {  	v18 =	vshll.u32 v18, $0x3  }
0x183: {  	v9 =	vnsel vm1, $0x19, v9;
	v3 =	vadd.s32 v6, v3;
	vm1 =	vlt.s32 v22, $0x19  }
0x184: {  	v20 =	vcvt.f32.s32 v20;
	v7 =	vadd.s32 v16, v7;
	v8 =	vadd.s32 v8, v14  }
0x185: {  	v6 =	vshra.s32 v19, $0x3;
	v9 =	vmul.u32 $0x28, v9;
	v19 =	vnsel vm1, $0x19, v22  }
0x186: {  	v18 =	vadd.s32 v21, v18;
	v8 =	vmul.u32 $0x410, v8;
	v2 =	vadd.s32 v6, v2  }
0x187: {  	v19 =	vmul.u32 $0x28, v19;
	v6 =	vshra.s32 v15, $0x3;
	v2 =	vadd.s32 v11, v2  }
0x188: {  	v6 =	vadd.s32 v6, v9;
	v11 =	vshll.u32 v13, $0x3;
	v9 =	vshra.s32 v17, $0x3  }
0x189: {  	v6 =	vadd.s32 v10, v6;
	v10 =	vnsel vm0, $0x19, v12;
	v11 =	vadd.s32 v20, v11  }
0x18a: {  	v9 =	vadd.s32 v9, v19;
	v10 =	vmul.u32 $0x28, v10;
	v11 =	vmul.u32 $0x410, v11  }
0x18b: {  	v4 =	vshra.s32 v4, $0x3;
	v12 =	vmul.u32 $0x410, v18;
	v8 =	vadd.s32 v8, v9  }
0x18c: {  	[tilespmem:v7+s25+$0x0] =	vst.idx.add.f32.msk $0xffff, v1;
	v4 =	vadd.s32 v4, v10;
	v5 =	vadd.s32 v11, v5  }
0x18d: {  	[tilespmem:v3+s25+$0x0] =	vst.idx.add.f32.msk $0xffff, v1;
	v4 =	vadd.s32 v12, v4  }
0x18e: {  	[tilespmem:v2+s25+$0x0] =	vst.idx.add.f32.msk $0xffff, v1  }
0x18f: {  	[tilespmem:v6+s25+$0x0] =	vst.idx.add.f32.msk $0xffff, v1  }
0x190: {  	s9 =	sadd.s32 @!p0 s13, s24;
	[tilespmem:v8+s25+$0x0] =	vst.idx.add.f32.msk $0xffff, v1  }
0x191: {  	s9 =	sshrl.u32 @!p0 s9, $0x3;
	[tilespmem:v5+s25+$0x0] =	vst.idx.add.f32.msk $0xffff, v1  }
0x192: {  	s15 =	simm.s32 @!p0 $0x0;
	s16 =	simm.s32 @!p0 $0x4000;
	s14 =	sadd.s32 @!p0 s0, s9;
	[tilespmem:v4+s25+$0x0] =	vst.idx.add.f32.msk $0xffff, v1  }
0x193: {  	[tilespmem:s16], [sflag:$0x2] =	stream.linear.gather @!p0 [hbm4b:s14+s15], $0x1000, $0x38;
	[tilespmem:$0x18680] =	vst v63  }
0x194: {  	s14 =	sadd.s32 @!p0 s2, s9;
	s16 =	simm.s32 @!p0 $0x5000  }
0x195: {  	[tilespmem:s16], [sflag:$0x2] =	stream.linear.gather @!p0 [hbm4b:s14+s15], $0x1000, $0x38;
	[tilespmem:$0x18680] =	vst v63  }
0x196: {  	s14 =	sadd.s32 @!p0 s3, s9;
	s16 =	simm.s32 @!p0 $0x6000  }
0x197: {  	[tilespmem:s16], [sflag:$0x2] =	stream.linear.gather @!p0 [hbm4b:s14+s15], $0x1000, $0x38;
	[tilespmem:$0x18680] =	vst v63  }
0x198: {  	s9 =	sadd.s32 @!p0 s4, s9;
	s14 =	simm.s32 @!p0 $0x7000  }
0x199: {  	[tilespmem:s14], [sflag:$0x2] =	stream.linear.gather @!p0 [hbm4b:s9+s15], $0x1000, $0x38;
	[tilespmem:$0x18680] =	vst v63  }
0x19a: {  	_ =	swait.ge [sflag:s8], $0x1000  }
0x19b: {  	[sflag:s8] =	ssyncset.done $0x0  }
0x19c: {  	[sflag:s8] =	ssyncadd.s32 $0xFFFFF000  }
0x19d: {  	_ =	swait.ge [sflag:s8], $0x1000  }
0x19e: {  	[sflag:s8] =	ssyncset.done $0x0  }
0x19f: {  	[sflag:s8] =	ssyncadd.s32 $0xFFFFF000  }
0x1a0: {  	_ =	swait.ge [sflag:s8], $0x1000  }
0x1a1: {  	[sflag:s8] =	ssyncset.done $0x0  }
0x1a2: {  	[sflag:s8] =	ssyncadd.s32 $0xFFFFF000  }
0x1a3: {  	_ =	swait.ge [sflag:s8], $0x1000  }
0x1a4: {  	[sflag:s8] =	ssyncset.done $0x0  }
0x1a5: {  	s9 =	simm.s32 $0xC040;
	[sflag:s8] =	ssyncadd.s32 $0xFFFFF000  }
0x1a6: {  	s14 =	simm.s32 $0xD040;
	v2 =	vld [tilespmem:s9+$0x10]  }
0x1a7: {  	v3 =	vld [tilespmem:s14+$0xFFFFFFF0]  }
0x1a8: {  	v4 =	vld [tilespmem:s14+$0x10]  }
0x1a9: {  	s21 =	simm.s32 $0xF040;
	v5 =	vld [tilespmem:s14+$0x30]  }
0x1aa: {  	v6 =	vld [tilespmem:s21+$0x10]  }
0x1ab: {  	s15 =	simm.s32 $0xE040;
	v7 =	vld [tilespmem:s21+$0x30]  }
0x1ac: {  	v8 =	vld [tilespmem:s15+$0x30]  }
0x1ad: {  	v9 =	vld [tilespmem:s9+$0x30]  }
0x1ae: {  	v10 =	vld [tilespmem:s15+$0x10]  }
0x1af: {  	v11 =	vld [tilespmem:s15+$0x20]  }
0x1b0: {  	v13 =	vld [tilespmem:s15+$0x0]  }
0x1b1: {  	v16 =	vld [tilespmem:s15+$0xFFFFFFD0]  }
0x1b2: {  	v5 =	vshra.s32 v5, $0x3  }
0x1b3: {  	v12 =	vshra.s32 v2, $0x3;
	v6 =	vshll.u32 v6, $0x3;
	v4 =	vshra.s32 v4, $0x3  }
0x1b4: {  	v18 =	vld [tilespmem:s9+$0xFFFFFFE0];
	v7 =	vshll.u32 v7, $0x3;
	v8 =	vmul.f32 $8.000000000e+00, v8;
	v15 =	vshra.s32 v3, $0x3  }
0x1b5: {  	v3 =	vshra.s32 v9, $0x3;
	v10 =	vmul.f32 $8.000000000e+00, v10;
	v11 =	vmul.f32 $8.000000000e+00, v11  }
0x1b6: {  	v2 =	vld [tilespmem:s14+$0xFFFFFFE0];
	v13 =	vmul.f32 $8.000000000e+00, v13;
	v16 =	vmul.f32 $8.000000000e+00, v16;
	vm0 =	vlt.s32 v5, $0x19  }
0x1b7: {  	v9 =	vld [tilespmem:s15+$0xFFFFFFE0];
	v5 =	vnsel vm0, $0x19, v5;
	v8 =	vtrunc.f32 v8;
	v10 =	vtrunc.f32 v10  }
0x1b8: {  	vm0 =	vlt.s32 v4, $0x19;
	v11 =	vtrunc.f32 v11;
	v21 =	vtrunc.f32 v13  }
0x1b9: {  	v14 =	vld [tilespmem:s15+$0xFFFFFFF0];
	v13 =	vshra.s32 v18, $0x3;
	v5 =	vmul.u32 $0x28, v5;
	v4 =	vnsel vm0, $0x19, v4  }
0x1ba: {  	v19 =	vld [tilespmem:s21+$0xFFFFFFE0];
	vm0 =	vlt.s32 v15, $0x19;
	v8 =	vcvt.f32.s32 v8;
	v10 =	vcvt.f32.s32 v10  }
0x1bb: {  	v4 =	vmul.u32 $0x28, v4;
	v3 =	vadd.s32 v3, v5;
	v5 =	vnsel vm0, $0x19, v15;
	v15 =	vld [tilespmem:s15+$0xFFFFFFC0]  }
0x1bc: {  	v17 =	vshra.s32 v2, $0x3;
	v9 =	vmul.f32 $8.000000000e+00, v9;
	v7 =	vadd.s32 v8, v7;
	v8 =	vld [tilespmem:s21+$0xFFFFFFF0]  }
0x1bd: {  	v10 =	vadd.s32 v10, v6;
	v2 =	vmul.u32 $0x28, v5;
	v5 =	vld [tilespmem:s14+$0xFFFFFFD0];
	vm0 =	vlt.s32 v17, $0x19  }
0x1be: {  	v12 =	vadd.s32 v12, v4;
	v6 =	vmul.u32 $0x410, v7;
	v4 =	vnsel vm0, $0x19, v17;
	v17 =	vld [tilespmem:s14+$0x20]  }
0x1bf: {  	v10 =	vmul.u32 $0x410, v10;
	v7 =	vtrunc.f32 v9;
	v9 =	vmul.f32 $8.000000000e+00, v14;
	v14 =	vld [tilespmem:s9+$0xFFFFFFD0]  }
0x1c0: {  	v22 =	vld [tilespmem:s21+$0x20];
	v11 =	vcvt.f32.s32 v11;
	v21 =	vcvt.f32.s32 v21;
	v20 =	vmul.u32 $0x28, v4  }
0x1c1: {  	v23 =	vld [tilespmem:s14+$0xFFFFFFC0];
	v10 =	vadd.s32 v10, v12;
	v12 =	vcvt.f32.s32 v7;
	v4 =	vtrunc.f32 v9  }
0x1c2: {  	v24 =	vld [tilespmem:s21+$0xFFFFFFC0];
	v18 =	vcvt.f32.s32 v4;
	v7 =	vadd.s32 v13, v20;
	v5 =	vshra.s32 v5, $0x3  }
0x1c3: {  	v4 =	vld [tilespmem:s9+$0x0];
	v8 =	vshll.u32 v8, $0x3;
	v15 =	vmul.f32 $8.000000000e+00, v15;
	vm0 =	vlt.s32 v5, $0x19  }
0x1c4: {  	v9 =	vshra.s32 v17, $0x3;
	v17 =	vld [tilespmem:s14+$0x0];
	v13 =	vshra.s32 v14, $0x3;
	v5 =	vnsel vm0, $0x19, v5  }
0x1c5: {  	v14 =	vshll.u32 v19, $0x3;
	v8 =	vadd.s32 v18, v8;
	v18 =	vld [tilespmem:s21+$0x0];
	v5 =	vmul.u32 $0x28, v5  }
0x1c6: {  	v20 =	vtrunc.f32 v16;
	v19 =	vld [tilespmem:s9+$0xFFFFFFF0];
	v12 =	vadd.s32 v12, v14;
	vm1 =	vlt.s32 v9, $0x19  }
0x1c7: {  	[tilespmem:v10+s25+$0x0] =	vst.idx.add.f32.msk $0xffff, v1;
	v14 =	vshll.u32 v24, $0x3;
	v5 =	vadd.s32 v13, v5;
	v13 =	vshll.u32 v22, $0x3  }
0x1c8: {  	v16 =	vmul.u32 $0x410, v12;
	v10 =	vadd.s32 v11, v13;
	v13 =	vtrunc.f32 v15;
	v15 =	vld [tilespmem:s9+$0x20]  }
0x1c9: {  	v22 =	vshra.s32 v23, $0x3;
	v11 =	vmul.u32 $0x410, v8;
	v12 =	vshra.s32 v17, $0x3;
	v17 =	vld [tilespmem:s9+$0xFFFFFFC0]  }
0x1ca: {  	s16 =	simm.s32 $0x0;
	s9 =	simm.s32 $0xF0C0;
	v10 =	vmul.u32 $0x410, v10;
	v8 =	vcvt.f32.s32 v13;
	v13 =	vld [tilespmem:s21+$0xFFFFFFD0];
	vm0 =	vlt.s32 v12, $0x19;
	s21 =	simm.s32 $0xC0C0  }
.LBB2_11:
0x1cb: {  	v23 =	vld [tilespmem:s21+$0x10];
	s16 =	sadd.s32 $0x8, s16;
	v18 =	vshll.u32 v18, $0x3;
	v9 =	vnsel vm1, $0x19, v9;
	v3 =	vadd.s32 v6, v3;
	s14 =	sadd.s32 $0x80, s14;
	s15 =	sadd.s32 $0x80, s15  }
0x1cc: {  	vm1 =	vlt.s32 v22, $0x19;
	v6 =	vld [tilespmem:s15+$0x10];
	p1 =	slt.u32 s16, $0xF8;
	v19 =	vshra.s32 v19, $0x3;
	v9 =	vmul.u32 $0x28, v9  }
0x1cd: {  	v20 =	vcvt.f32.s32 v20;
	v22 =	vnsel vm1, $0x19, v22;
	v18 =	vadd.s32 v21, v18;
	v24 =	vld [tilespmem:s15+$0x20]  }
0x1ce: {  	v22 =	vmul.u32 $0x28, v22;
	v2 =	vadd.s32 v19, v2;
	v15 =	vshra.s32 v15, $0x3;
	v21 =	vld [tilespmem:s14+$0xFFFFFFF0]  }
0x1cf: {  	v7 =	vadd.s32 v16, v7;
	v2 =	vadd.s32 v11, v2;
	v9 =	vadd.s32 v15, v9;
	v19 =	vld [tilespmem:s14+$0x10]  }
0x1d0: {  	v13 =	vshll.u32 v13, $0x3;
	v15 =	vshra.s32 v17, $0x3;
	v9 =	vadd.s32 v10, v9;
	v11 =	vld [tilespmem:s15+$0x30]  }
0x1d1: {  	v8 =	vadd.s32 v8, v14;
	v12 =	vnsel vm0, $0x19, v12;
	v14 =	vadd.s32 v15, v22;
	v10 =	vld [tilespmem:s9+$0x10]  }
0x1d2: {  	v8 =	vmul.u32 $0x410, v8;
	v12 =	vmul.u32 $0x28, v12;
	v13 =	vadd.s32 v20, v13;
	v15 =	vld [tilespmem:s14+$0x30]  }
0x1d3: {  	v4 =	vshra.s32 v4, $0x3;
	v17 =	vmul.u32 $0x410, v18;
	v13 =	vmul.u32 $0x410, v13;
	v16 =	vld [tilespmem:s9+$0x30]  }
0x1d4: {  	v4 =	vadd.s32 v4, v12;
	v8 =	vadd.s32 v8, v14;
	[tilespmem:v7+s25+$0x0] =	vst.idx.add.f32.msk $0xffff, v1  }
0x1d5: {  	v5 =	vadd.s32 v13, v5;
	[tilespmem:v2+s25+$0x0] =	vst.idx.add.f32.msk $0xffff, v1;
	v2 =	vadd.s32 v17, v4  }
0x1d6: {  	v4 =	vld [tilespmem:s21+$0x30]  }
0x1d7: {  	[tilespmem:v3+s25+$0x0] =	vst.idx.add.f32.msk $0xffff, v1  }
0x1d8: {  	[tilespmem:v9+s25+$0x0] =	vst.idx.add.f32.msk $0xffff, v1  }
0x1d9: {  	[tilespmem:v8+s25+$0x0] =	vst.idx.add.f32.msk $0xffff, v1  }
0x1da: {  	v3 =	vshra.s32 v15, $0x3;
	[tilespmem:v2+s25+$0x0] =	vst.idx.add.f32.msk $0xffff, v1  }
0x1db: {  	v7 =	vshra.s32 v23, $0x3;
	vm0 =	vlt.s32 v3, $0x19;
	v8 =	vshll.u32 v10, $0x3;
	[tilespmem:v5+s25+$0x0] =	vst.idx.add.f32.msk $0xffff, v1  }
0x1dc: {  	v9 =	vshll.u32 v16, $0x3;
	v3 =	vnsel vm0, $0x19, v3;
	v5 =	vshra.s32 v19, $0x3;
	v2 =	vld [tilespmem:s14+$0xFFFFFFE0]  }
0x1dd: {  	v11 =	vmul.f32 $8.000000000e+00, v11;
	v3 =	vmul.u32 $0x28, v3;
	vm0 =	vlt.s32 v5, $0x19;
	v10 =	vld [tilespmem:s15+$0x0]  }
0x1de: {  	v13 =	vshra.s32 v21, $0x3;
	v4 =	vshra.s32 v4, $0x3;
	v5 =	vnsel vm0, $0x19, v5;
	v12 =	vld [tilespmem:s15+$0xFFFFFFF0]  }
0x1df: {  	v11 =	vtrunc.f32 v11;
	v3 =	vadd.s32 v4, v3;
	vm0 =	vlt.s32 v13, $0x19;
	v14 =	vld [tilespmem:s15+$0xFFFFFFE0]  }
0x1e0: {  	v6 =	vmul.f32 $8.000000000e+00, v6;
	v4 =	vnsel vm0, $0x19, v13;
	v13 =	vmul.f32 $8.000000000e+00, v24;
	v15 =	vld [tilespmem:s15+$0xFFFFFFD0]  }
0x1e1: {  	v16 =	vld [tilespmem:s15+$0xFFFFFFC0];
	v17 =	vshra.s32 v2, $0x3;
	v2 =	vmul.u32 $0x28, v4;
	v4 =	vmul.u32 $0x28, v5  }
0x1e2: {  	v6 =	vtrunc.f32 v6;
	v11 =	vcvt.f32.s32 v11;
	v5 =	vld [tilespmem:s14+$0xFFFFFFD0];
	vm0 =	vlt.s32 v17, $0x19  }
0x1e3: {  	v6 =	vcvt.f32.s32 v6;
	v13 =	vtrunc.f32 v13;
	v18 =	vld [tilespmem:s21+$0xFFFFFFE0];
	v7 =	vadd.s32 v7, v4  }
0x1e4: {  	v9 =	vadd.s32 v11, v9;
	v4 =	vnsel vm0, $0x19, v17;
	v14 =	vmul.f32 $8.000000000e+00, v14;
	v17 =	vld [tilespmem:s14+$0x20]  }
0x1e5: {  	v8 =	vadd.s32 v6, v8;
	v6 =	vmul.u32 $0x410, v9;
	v10 =	vmul.f32 $8.000000000e+00, v10;
	v11 =	vld [tilespmem:s9+$0xFFFFFFF0]  }
0x1e6: {  	v8 =	vmul.u32 $0x410, v8;
	v12 =	vmul.f32 $8.000000000e+00, v12;
	v19 =	vld [tilespmem:s9+$0xFFFFFFE0];
	v9 =	vtrunc.f32 v14  }
0x1e7: {  	v20 =	vmul.u32 $0x28, v4;
	v21 =	vtrunc.f32 v10;
	v14 =	vld [tilespmem:s21+$0xFFFFFFD0];
	v5 =	vshra.s32 v5, $0x3  }
0x1e8: {  	v4 =	vtrunc.f32 v12;
	vm0 =	vlt.s32 v5, $0x19;
	v10 =	vshra.s32 v18, $0x3;
	v12 =	vld [tilespmem:s9+$0x20]  }
0x1e9: {  	v13 =	vcvt.f32.s32 v13;
	v8 =	vadd.s32 v8, v7;
	v18 =	vcvt.f32.s32 v4;
	v4 =	vld [tilespmem:s21+$0x0]  }
0x1ea: {  	v23 =	vcvt.f32.s32 v9;
	v5 =	vnsel vm0, $0x19, v5;
	v9 =	vshra.s32 v17, $0x3;
	v22 =	vld [tilespmem:s14+$0xFFFFFFC0]  }
0x1eb: {  	v7 =	vadd.s32 v10, v20;
	v5 =	vmul.u32 $0x28, v5;
	v10 =	vshll.u32 v11, $0x3;
	v17 =	vld [tilespmem:s14+$0x0]  }
0x1ec: {  	v10 =	vadd.s32 v18, v10;
	v24 =	vld [tilespmem:s9+$0xFFFFFFC0];
	v11 =	vshra.s32 v14, $0x3;
	v14 =	vshll.u32 v19, $0x3  }
0x1ed: {  	v16 =	vmul.f32 $8.000000000e+00, v16;
	v5 =	vadd.s32 v11, v5;
	v18 =	vld [tilespmem:s9+$0x0];
	v11 =	vshll.u32 v12, $0x3  }
.Ltmp4:
0x1ee: {  	v12 =	vmul.f32 $8.000000000e+00, v15;
	v14 =	vadd.s32 v23, v14;
	[tilespmem:v8+s25+$0x0] =	vst.idx.add.f32.msk $0xffff, v1;
	v8 =	vadd.s32 v13, v11;
	(pc) =	sbr.rel @p1 .LBB2_11-.Ltmp4, $4  }
0x1ef: {  	v13 =	vtrunc.f32 v16;
	v11 =	vmul.u32 $0x410, v10;
	v19 =	vld [tilespmem:s21+$0xFFFFFFF0];
	v10 =	vmul.u32 $0x410, v8  }
0x1f0: {  	vm1 =	vlt.s32 v9, $0x19;
	v8 =	vcvt.f32.s32 v13;
	v20 =	vtrunc.f32 v12;
	v15 =	vld [tilespmem:s21+$0x20]  }
0x1f1: {  	v21 =	vcvt.f32.s32 v21;
	v16 =	vmul.u32 $0x410, v14;
	v12 =	vshra.s32 v17, $0x3;
	v13 =	vld [tilespmem:s9+$0xFFFFFFD0]  }
0x1f2: {  	v22 =	vshra.s32 v22, $0x3;
	v14 =	vshll.u32 v24, $0x3;
	vm0 =	vlt.s32 v12, $0x19;
	s9 =	sadd.s32 $0x80, s9;
	v17 =	vld [tilespmem:s21+$0xFFFFFFC0];
	s21 =	sadd.s32 $0x80, s21  }
0x1f3: {  	v18 =	vshll.u32 v18, $0x3;
	v9 =	vnsel vm1, $0x19, v9  }
0x1f4: {  	v3 =	vadd.s32 v6, v3;
	vm15 =	vlt.s32 v22, $0x19;
	v20 =	vcvt.f32.s32 v20  }
0x1f5: {  	v7 =	vadd.s32 v16, v7;
	v8 =	vadd.s32 v8, v14;
	v62 =	vnsel vm0, $0x19, v12  }
0x1f6: {  	v4 =	vshra.s32 v4, $0x3;
	v57 =	vshra.s32 v19, $0x3;
	v9 =	vmul.u32 $0x28, v9  }
0x1f7: {  	v58 =	vnsel vm15, $0x19, v22;
	v18 =	vadd.s32 v21, v18;
	v8 =	vmul.u32 $0x410, v8  }
0x1f8: {  	v19 =	vmul.u32 $0x28, v58;
	v2 =	vadd.s32 v57, v2;
	v59 =	vshra.s32 v15, $0x3  }
0x1f9: {  	v2 =	vadd.s32 v11, v2;
	v6 =	vadd.s32 v59, v9;
	v61 =	vshll.u32 v13, $0x3  }
0x1fa: {  	v60 =	vshra.s32 v17, $0x3;
	v6 =	vadd.s32 v10, v6;
	v10 =	vmul.u32 $0x28, v62  }
0x1fb: {  	v63 =	vmul.u32 $0x410, v18;
	v11 =	vadd.s32 v20, v61;
	v9 =	vadd.s32 v60, v19  }
0x1fc: {  	v11 =	vmul.u32 $0x410, v11;
	v8 =	vadd.s32 v8, v9;
	v4 =	vadd.s32 v4, v10  }
0x1fd: {  	[tilespmem:v7+s25+$0x0] =	vst.idx.add.f32.msk $0xffff, v1;
	v4 =	vadd.s32 v63, v4  }
0x1fe: {  	[tilespmem:v3+s25+$0x0] =	vst.idx.add.f32.msk $0xffff, v1;
	v5 =	vadd.s32 v11, v5  }
.Ltmp5:
0x1ff: {  	[tilespmem:v2+s25+$0x0] =	vst.idx.add.f32.msk $0xffff, v1;
	(pc) =	sbr.rel @p0 .LBB2_14-.Ltmp5, $4  }
0x200: {  	[tilespmem:v6+s25+$0x0] =	vst.idx.add.f32.msk $0xffff, v1  }
0x201: {  	[tilespmem:v8+s25+$0x0] =	vst.idx.add.f32.msk $0xffff, v1  }
0x202: {  	[tilespmem:v4+s25+$0x0] =	vst.idx.add.f32.msk $0xffff, v1  }
0x203: {  	[tilespmem:v5+s25+$0x0] =	vst.idx.add.f32.msk $0xffff, v1  }
0x204: {  	s9 =	sadd.s32 s13, s26  }
0x205: {  	s9 =	sshrl.u32 s9, $0x3  }
0x206: {  	s15 =	sadd.s32 s0, s9  }
0x207: {  	[tilespmem:s17], [sflag:$0x3] =	stream.linear.gather [hbm4b:s15+s6], $0x1000, $0x38;
	[tilespmem:$0x18680] =	vst v63  }
0x208: {  	s16 =	sadd.s32 s2, s9  }
0x209: {  	[tilespmem:s18], [sflag:$0x3] =	stream.linear.gather [hbm4b:s16+s6], $0x1000, $0x38;
	[tilespmem:$0x18680] =	vst v63  }
.Ltmp6:
0x20a: {  	_ = 	snop;
	(pc) =	sbr.rel .LBB2_4-.Ltmp6, $4  }
0x20b: {  	s21 =	sadd.s32 s3, s9  }
0x20c: {  	[tilespmem:s19], [sflag:$0x3] =	stream.linear.gather [hbm4b:s21+s6], $0x1000, $0x38;
	[tilespmem:$0x18680] =	vst v63  }
0x20d: {  	s12 =	sadd.s32 $0x1, s12;
	s9 =	sadd.s32 s4, s9  }
0x20e: {  	[tilespmem:s20], [sflag:$0x3] =	stream.linear.gather [hbm4b:s9+s6], $0x1000, $0x38;
	[tilespmem:$0x18680] =	vst v63  }
.LBB2_14:
0x20f: {  	s12 =	simm.s32 $0x0;
	s9 =	rddreg [dreg:$0x13];
	s16 =	simm.s32 $0x6  }
0x210: {  	[hbm4b:s9+s12] =	stream.linear.scatter [tilespmem:s25], [sflag:$0x6], $0x4100, $0x38;
	[tilespmem:$0x18680] =	vst v63  }
0x211: {  	_ =	swait.ge [sflag:s16], $0x4100  }
0x212: {  	[sflag:s16] =	ssyncset.done $0x0  }
0x213: {  	[sflag:s16] =	ssyncadd.s32 $0xFFFFBF00  }
0x214: {  	[bflag:$0x0] =	sbarrier.arrive $0xFFFF  }
0x215: {  	s14 =	rddreg [dreg:$0x14]  }
0x216: {  	s13 =	simm.s32 $0x14580;
	s15 =	rddreg [dreg:$0x17]  }
0x217: {  	[tilespmem:s13], [sflag:$0x5] =	stream.linear.gather [hbm4b:s14+s12], $0x410, $0x38;
	[tilespmem:$0x18680] =	vst v63  }
0x218: {  	s21 =	simm.s32 $0x14990;
	s13 =	rddreg [dreg:$0x18]  }
0x219: {  	[tilespmem:s21], [sflag:$0x5] =	stream.linear.gather [hbm4b:s15+s12], $0x410, $0x38;
	[tilespmem:$0x18680] =	vst v63  }
0x21a: {  	s14 =	simm.s32 $0x14DA0;
	s15 =	rddreg [dreg:$0x19]  }
0x21b: {  	[tilespmem:s14], [sflag:$0x5] =	stream.linear.gather [hbm4b:s13+s12], $0x410, $0x38;
	[tilespmem:$0x18680] =	vst v63  }
0x21c: {  	s21 =	simm.s32 $0x151B0;
	s13 =	rddreg [dreg:$0x1a]  }
0x21d: {  	[tilespmem:s21], [sflag:$0x5] =	stream.linear.gather [hbm4b:s15+s12], $0x410, $0x38;
	[tilespmem:$0x18680] =	vst v63  }
0x21e: {  	s14 =	simm.s32 $0x155C0;
	s15 =	rddreg [dreg:$0x1b]  }
0x21f: {  	[tilespmem:s14], [sflag:$0x5] =	stream.linear.gather [hbm4b:s13+s12], $0x410, $0x38;
	[tilespmem:$0x18680] =	vst v63  }
0x220: {  	s21 =	simm.s32 $0x159D0;
	s13 =	rddreg [dreg:$0x1c]  }
0x221: {  	[tilespmem:s21], [sflag:$0x5] =	stream.linear.gather [hbm4b:s15+s12], $0x410, $0x38;
	[tilespmem:$0x18680] =	vst v63  }
0x222: {  	s14 =	simm.s32 $0x15DE0;
	s15 =	rddreg [dreg:$0x1d]  }
0x223: {  	[tilespmem:s14], [sflag:$0x5] =	stream.linear.gather [hbm4b:s13+s12], $0x410, $0x38;
	[tilespmem:$0x18680] =	vst v63  }
0x224: {  	s21 =	simm.s32 $0x161F0;
	s13 =	rddreg [dreg:$0x1e]  }
0x225: {  	[tilespmem:s21], [sflag:$0x5] =	stream.linear.gather [hbm4b:s15+s12], $0x410, $0x38;
	[tilespmem:$0x18680] =	vst v63  }
0x226: {  	s14 =	simm.s32 $0x16600;
	s15 =	rddreg [dreg:$0x1f]  }
0x227: {  	[tilespmem:s14], [sflag:$0x5] =	stream.linear.gather [hbm4b:s13+s12], $0x410, $0x38;
	[tilespmem:$0x18680] =	vst v63  }
0x228: {  	s9 =	simm.s32 $0x16A10;
	s21 =	sld [smem:$0x7F8]  }
0x229: {  	[tilespmem:s9], [sflag:$0x5] =	stream.linear.gather [hbm4b:s15+s12], $0x410, $0x38;
	[tilespmem:$0x18680] =	vst v63  }
0x22a: {  	s14 =	simm.s32 $0x16E20;
	s15 =	sld [smem:$0x7F9]  }
0x22b: {  	[tilespmem:s14], [sflag:$0x5] =	stream.linear.gather [hbm4b:s21+s12], $0x410, $0x38;
	[tilespmem:$0x18680] =	vst v63  }
0x22c: {  	s21 =	simm.s32 $0x17230  }
0x22d: {  	[tilespmem:s21], [sflag:$0x5] =	stream.linear.gather [hbm4b:s15+s12], $0x410, $0x38;
	[tilespmem:$0x18680] =	vst v63  }
0x22e: {  	s15 =	sld [smem:$0x7FA];
	_ =	sdelay $0x1  }
0x22f: {  	s21 =	simm.s32 $0x17640  }
0x230: {  	[tilespmem:s21], [sflag:$0x5] =	stream.linear.gather [hbm4b:s15+s12], $0x410, $0x38;
	[tilespmem:$0x18680] =	vst v63  }
0x231: {  	s15 =	sld [smem:$0x7FB];
	_ =	sdelay $0x1  }
0x232: {  	s21 =	simm.s32 $0x17A50  }
0x233: {  	[tilespmem:s21], [sflag:$0x5] =	stream.linear.gather [hbm4b:s15+s12], $0x410, $0x38;
	[tilespmem:$0x18680] =	vst v63  }
0x234: {  	s15 =	sld [smem:$0x7FC];
	_ =	sdelay $0x1  }
0x235: {  	s21 =	simm.s32 $0x17E60  }
0x236: {  	[tilespmem:s21], [sflag:$0x5] =	stream.linear.gather [hbm4b:s15+s12], $0x410, $0x38;
	[tilespmem:$0x18680] =	vst v63  }
0x237: {  	s15 =	sld [smem:$0x7FD];
	_ =	sdelay $0x1  }
0x238: {  	s21 =	simm.s32 $0x18270  }
0x239: {  	[tilespmem:s21], [sflag:$0x5] =	stream.linear.gather [hbm4b:s15+s12], $0x410, $0x38;
	[tilespmem:$0x18680] =	vst v63  }
0x23a: {  	_ =	swait.ge [sflag:s10], $0x410  }
0x23b: {  	[sflag:s10] =	ssyncset.done $0x0  }
0x23c: {  	[sflag:s10] =	ssyncadd.s32 $0xFFFFFBF0  }
0x23d: {  	_ =	swait.ge [sflag:s10], $0x410  }
0x23e: {  	[sflag:s10] =	ssyncset.done $0x0  }
0x23f: {  	[sflag:s10] =	ssyncadd.s32 $0xFFFFFBF0  }
0x240: {  	_ =	swait.ge [sflag:s10], $0x410  }
0x241: {  	[sflag:s10] =	ssyncset.done $0x0  }
0x242: {  	[sflag:s10] =	ssyncadd.s32 $0xFFFFFBF0  }
0x243: {  	_ =	swait.ge [sflag:s10], $0x410  }
0x244: {  	[sflag:s10] =	ssyncset.done $0x0  }
0x245: {  	[sflag:s10] =	ssyncadd.s32 $0xFFFFFBF0  }
0x246: {  	_ =	swait.ge [sflag:s10], $0x410  }
0x247: {  	[sflag:s10] =	ssyncset.done $0x0  }
0x248: {  	[sflag:s10] =	ssyncadd.s32 $0xFFFFFBF0  }
0x249: {  	_ =	swait.ge [sflag:s10], $0x410  }
0x24a: {  	[sflag:s10] =	ssyncset.done $0x0  }
0x24b: {  	[sflag:s10] =	ssyncadd.s32 $0xFFFFFBF0  }
0x24c: {  	_ =	swait.ge [sflag:s10], $0x410  }
0x24d: {  	[sflag:s10] =	ssyncset.done $0x0  }
0x24e: {  	[sflag:s10] =	ssyncadd.s32 $0xFFFFFBF0  }
0x24f: {  	_ =	swait.ge [sflag:s10], $0x410  }
0x250: {  	[sflag:s10] =	ssyncset.done $0x0  }
0x251: {  	[sflag:s10] =	ssyncadd.s32 $0xFFFFFBF0  }
0x252: {  	_ =	swait.ge [sflag:s10], $0x410  }
0x253: {  	[sflag:s10] =	ssyncset.done $0x0  }
0x254: {  	[sflag:s10] =	ssyncadd.s32 $0xFFFFFBF0  }
0x255: {  	_ =	swait.ge [sflag:s10], $0x410  }
0x256: {  	[sflag:s10] =	ssyncset.done $0x0  }
0x257: {  	[sflag:s10] =	ssyncadd.s32 $0xFFFFFBF0  }
0x258: {  	_ =	swait.ge [sflag:s10], $0x410  }
0x259: {  	[sflag:s10] =	ssyncset.done $0x0  }
0x25a: {  	[sflag:s10] =	ssyncadd.s32 $0xFFFFFBF0  }
0x25b: {  	_ =	swait.ge [sflag:s10], $0x410  }
0x25c: {  	[sflag:s10] =	ssyncset.done $0x0  }
0x25d: {  	[sflag:s10] =	ssyncadd.s32 $0xFFFFFBF0  }
0x25e: {  	_ =	swait.ge [sflag:s10], $0x410  }
0x25f: {  	[sflag:s10] =	ssyncset.done $0x0  }
0x260: {  	[sflag:s10] =	ssyncadd.s32 $0xFFFFFBF0  }
0x261: {  	_ =	swait.ge [sflag:s10], $0x410  }
0x262: {  	[sflag:s10] =	ssyncset.done $0x0  }
0x263: {  	[sflag:s10] =	ssyncadd.s32 $0xFFFFFBF0  }
0x264: {  	_ =	swait.ge [sflag:s10], $0x410  }
0x265: {  	[sflag:s10] =	ssyncset.done $0x0  }
0x266: {  	[sflag:s10] =	ssyncadd.s32 $0xFFFFFBF0  }
0x267: {  	_ =	swait.ge [sflag:s10], $0x410  }
0x268: {  	[sflag:s10] =	ssyncset.done $0x0  }
0x269: {  	[sflag:s10] =	ssyncadd.s32 $0xFFFFFBF0  }
0x26a: {  	v2 =	vld [tilespmem:s9+$0xFFFFDF80]  }
0x26b: {  	v3 =	vld [tilespmem:s9+$0xFFFFDB70];
	_ =	sdelay $0x1  }
0x26c: {  	v4 =	vld [tilespmem:s9+$0xFFFFE390];
	_ =	sdelay $0x1  }
0x26d: {  	v5 =	vld [tilespmem:s9+$0xFFFFE7A0]  }
0x26e: {  	v2 =	vadd.f32 v2, v3  }
0x26f: {  	v3 =	vld [tilespmem:s9+$0xFFFFEBB0]  }
0x270: {  	v2 =	vadd.f32 v4, v2  }
0x271: {  	v4 =	vld [tilespmem:s9+$0xFFFFEFC0]  }
0x272: {  	v2 =	vadd.f32 v5, v2  }
0x273: {  	v5 =	vld [tilespmem:s9+$0xFFFFF3D0]  }
0x274: {  	v2 =	vadd.f32 v3, v2  }
0x275: {  	v3 =	vld [tilespmem:s9+$0xFFFFF7E0]  }
0x276: {  	s12 =	sand.u32 $0x7F0, s12;
	v2 =	vadd.f32 v4, v2  }
0x277: {  	v4 =	vld [tilespmem:s12+$0x16600]  }
0x278: {  	v2 =	vadd.f32 v5, v2  }
0x279: {  	v5 =	vld [tilespmem:s9+$0x0]  }
0x27a: {  	v2 =	vadd.f32 v3, v2  }
0x27b: {  	v3 =	vld [tilespmem:s9+$0x410]  }
0x27c: {  	v2 =	vadd.f32 v4, v2  }
0x27d: {  	v4 =	vld [tilespmem:s9+$0x820]  }
0x27e: {  	v2 =	vadd.f32 v5, v2  }
0x27f: {  	v5 =	vld [tilespmem:s9+$0xC30]  }
0x280: {  	v2 =	vadd.f32 v3, v2  }
0x281: {  	v3 =	vld [tilespmem:s9+$0x1040]  }
0x282: {  	v2 =	vadd.f32 v4, v2  }
0x283: {  	v4 =	vld [tilespmem:s9+$0x1450]  }
0x284: {  	v2 =	vadd.f32 v5, v2  }
0x285: {  	v5 =	vld [tilespmem:s9+$0x1860]  }
0x286: {  	v2 =	vadd.f32 v3, v2;
	_ =	sdelay $0x1  }
0x287: {  	v2 =	vadd.f32 v4, v2;
	_ =	sdelay $0x1  }
0x288: {  	v2 =	vadd.f32 v5, v2  }
0x289: {  	s9 =	simm.s32 $0x14100  }
0x28a: {  	s12 =	simm.s32 $0x16A20;
	[tilespmem:s9+$0x0] =	vst v2  }
0x28b: {  	v2 =	vld [tilespmem:s12+$0xFFFFDF80]  }
0x28c: {  	s13 =	simm.s32 $0x10;
	s14 =	simm.s32 $0x20;
	v3 =	vld [tilespmem:s12+$0xFFFFDB70]  }
.LBB2_15:
0x28d: {  	p0 =	sne.s32 s14, $0x400  }
0x28e: {  	v4 =	vld [tilespmem:s12+$0xFFFFE390];
	_ =	sdelay $0x1  }
0x28f: {  	v5 =	vld [tilespmem:s12+$0xFFFFE7A0]  }
0x290: {  	v2 =	vadd.f32 v2, v3  }
0x291: {  	v3 =	vld [tilespmem:s12+$0xFFFFEBB0]  }
0x292: {  	v2 =	vadd.f32 v4, v2  }
0x293: {  	v4 =	vld [tilespmem:s12+$0xFFFFEFC0]  }
0x294: {  	v2 =	vadd.f32 v5, v2  }
0x295: {  	v5 =	vld [tilespmem:s12+$0xFFFFF3D0]  }
0x296: {  	v2 =	vadd.f32 v3, v2  }
0x297: {  	v3 =	vld [tilespmem:s12+$0xFFFFF7E0]  }
0x298: {  	s15 =	sand.u32 $0x7F0, s13;
	s13 =	smov.u32 s14;
	v2 =	vadd.f32 v4, v2  }
0x299: {  	v4 =	vld [tilespmem:s15+$0x16600]  }
0x29a: {  	v2 =	vadd.f32 v5, v2  }
0x29b: {  	v5 =	vld [tilespmem:s12+$0x0]  }
0x29c: {  	v2 =	vadd.f32 v3, v2  }
0x29d: {  	v3 =	vld [tilespmem:s12+$0x410]  }
0x29e: {  	v2 =	vadd.f32 v4, v2  }
0x29f: {  	v4 =	vld [tilespmem:s12+$0x820]  }
0x2a0: {  	v2 =	vadd.f32 v5, v2  }
0x2a1: {  	v5 =	vld [tilespmem:s12+$0xC30]  }
0x2a2: {  	v2 =	vadd.f32 v3, v2  }
0x2a3: {  	v3 =	vld [tilespmem:s12+$0x1040]  }
0x2a4: {  	v2 =	vadd.f32 v4, v2  }
0x2a5: {  	v4 =	vld [tilespmem:s12+$0x1450]  }
0x2a6: {  	v2 =	vadd.f32 v5, v2  }
0x2a7: {  	v5 =	vld [tilespmem:s12+$0x1860]  }
0x2a8: {  	v2 =	vadd.f32 v3, v2;
	_ =	sdelay $0x1  }
0x2a9: {  	v2 =	vadd.f32 v4, v2;
	_ =	sdelay $0x1  }
.Ltmp7:
0x2aa: {  	v2 =	vadd.f32 v5, v2;
	(pc) =	sbr.rel @p0 .LBB2_15-.Ltmp7, $4  }
0x2ab: {  	s9 =	sadd.s32 $0x10, s9  }
0x2ac: {  	s12 =	sadd.s32 $0x10, s12;
	[tilespmem:s9+$0x0] =	vst v2  }
0x2ad: {  	v2 =	vld [tilespmem:s12+$0xFFFFDF80]  }
0x2ae: {  	s14 =	sadd.s32 $0x10, s14;
	v3 =	vld [tilespmem:s12+$0xFFFFDB70]  }
0x2af: {  	_ = 	snop  }
0x2b0: {  	v4 =	vld [tilespmem:s12+$0xFFFFE390];
	_ =	sdelay $0x1  }
0x2b1: {  	v5 =	vld [tilespmem:s12+$0xFFFFE7A0]  }
0x2b2: {  	v2 =	vadd.f32 v2, v3  }
0x2b3: {  	v3 =	vld [tilespmem:s12+$0xFFFFEBB0]  }
0x2b4: {  	v2 =	vadd.f32 v4, v2  }
0x2b5: {  	v56 =	vld [tilespmem:s12+$0xFFFFEFC0]  }
0x2b6: {  	v2 =	vadd.f32 v5, v2  }
0x2b7: {  	v57 =	vld [tilespmem:s12+$0xFFFFF3D0]  }
0x2b8: {  	v2 =	vadd.f32 v3, v2  }
0x2b9: {  	v3 =	vld [tilespmem:s12+$0xFFFFF7E0]  }
0x2ba: {  	s13 =	sand.u32 $0x7F0, s13;
	v2 =	vadd.f32 v56, v2  }
0x2bb: {  	v58 =	vld [tilespmem:s13+$0x16600]  }
0x2bc: {  	v2 =	vadd.f32 v57, v2  }
0x2bd: {  	v59 =	vld [tilespmem:s12+$0x0]  }
0x2be: {  	v2 =	vadd.f32 v3, v2  }
0x2bf: {  	v3 =	vld [tilespmem:s12+$0x410]  }
0x2c0: {  	v2 =	vadd.f32 v58, v2  }
0x2c1: {  	v60 =	vld [tilespmem:s12+$0x820]  }
0x2c2: {  	v2 =	vadd.f32 v59, v2  }
0x2c3: {  	v61 =	vld [tilespmem:s12+$0xC30]  }
0x2c4: {  	v2 =	vadd.f32 v3, v2  }
0x2c5: {  	v3 =	vld [tilespmem:s12+$0x1040]  }
0x2c6: {  	v2 =	vadd.f32 v60, v2  }
0x2c7: {  	v62 =	vld [tilespmem:s12+$0x1450]  }
0x2c8: {  	v2 =	vadd.f32 v61, v2  }
0x2c9: {  	v63 =	vld [tilespmem:s12+$0x1860]  }
0x2ca: {  	v2 =	vadd.f32 v3, v2;
	_ =	sdelay $0x1  }
0x2cb: {  	v2 =	vadd.f32 v62, v2;
	_ =	sdelay $0x1  }
0x2cc: {  	v2 =	vadd.f32 v63, v2  }
0x2cd: {  	s9 =	sadd.s32 $0x10, s9  }
0x2ce: {  	s14 =	rddreg [dreg:$0x15];
	s15 =	simm.s32 $0x14100;
	[tilespmem:s9+$0x0] =	vst v2  }
0x2cf: {  	[hbm4b:s14+s6] =	stream.linear.scatter [tilespmem:s15], [sflag:$0x6], $0x410, $0x38;
	[tilespmem:$0x18680] =	vst v63  }
0x2d0: {  	_ =	swait.ge [sflag:s16], $0x410  }
0x2d1: {  	s11 =	sadd.s32 $0x1, s11;
	s21 =	rddreg [dreg:$0x16]  }
0x2d2: {  	p0 =	sne.s32 s11, s21  }
.Ltmp8:
0x2d3: {  	_ = 	snop;
	(pc) =	sbr.rel @p0 .LBB2_1-.Ltmp8, $3  }
0x2d4: {  	_ =	sdelay $0x1  }
0x2d5: {  	[sflag:s16] =	ssyncset.done $0x0  }
0x2d6: {  	[sflag:s16] =	ssyncadd.s32 $0xFFFFFBF0  }
0x2d7: {  	_ =	sfence.sel $0x180000  }
0x2d8: {  	[bflag:$0x0] =	sbarrier.arrive $0xFFFF  }
0x2d9: {  	_ =	strace $0x90000047  }
0x2da: {  	s0 =	stileid.u32;
	[bflag:$0x2] =	sbarrier.arrive $0xFFFF  }
0x2db: {  	p0 =	sne.s32 s0, $0x0;
	s0 =	rddreg [dreg:$0x6]  }
0x2dc: {  	s0 =	sadd.s32 @!p0 $0x100000, s0  }
0x2dd: {  	[sflag:s0] =	ssyncadd.tile.s32 @!p0 $0x1;
	_ =	shalt  }
.Lfunc_end2:
_tile_overlayer_lowered:
.L_overlay_start_2:
0x2de: {  	(tag) =	ssettag $0x2  }
0x2df: {  	s0 =	rddreg [dreg:$0x0];
	s2 =	stileid.u32  }
0x2e0: {  	s1 =	rddreg [dreg:$0x1];
	p0 =	sne.s32 s2, $0x0  }
0x2e1: {  	s3 =	rddreg [dreg:$0x2];
	[bflag:$0x3] =	sbarrier.arrive $0xFFFF;
	s2 =	simm.s32 @!p0 $0x1C06  }
0x2e2: {  	[timem:s3], [sflag:s2] =	dma.local @!p0 [hbm:s0], s1  }
0x2e3: {  	s0 =	simm.s32 @!p0 $0x6  }
0x2e4: {  	_ =	swait.ge @!p0 [sflag:s0], s1  }
0x2e5: {  	s1 =	ssub.s32 @!p0 $0x0, s1;
	[sflag:s0] =	ssyncset.done @!p0 $0x0  }
0x2e6: {  	[sflag:s0] =	ssyncadd.s32 @!p0 s1  }
0x2e7: {  	[bflag:$0x3] =	sbarrier.arrive $0xFFFF  }
0x2e8: {  	_ =	shalt  }

</sc_bundles>
